<compile_context>
chip_gen: v7x
topology: tpu7x:2x2x1
jax: 0.10.2.dev20260603
libtpu: 0.0.44.dev20260713+nightly
codegen_flags: <defaults>
</compile_context>

<pallas_src>
import functools

import jax
import jax.numpy as jnp
from jax import lax
from jax.experimental import pallas as pl
from jax.experimental.pallas import tpu as pltpu
from jax.experimental.pallas import tpu_sc as plsc

N_NODES = 10000
N_EDGES = 320000
NUM_EMB = 100000
D = 128
BERT_D = 384
B = 1024
NCLS = 10
LAM = 0.5

SC_CORES = 2
SC_TILES = 16
NW = SC_CORES * SC_TILES

NP = 10240
RPT = NP // SC_TILES

ECH = 80
EDGE_EPT = N_EDGES // NW
EDGE_NCH = EDGE_EPT // ECH

GCH = 80
GN_CH = N_NODES // GCH
G_PER_TILE = 4

RB = 1024


def _mesh():
    return plsc.VectorSubcoreMesh(
        core_axis_name="c", subcore_axis_name="s",
        num_cores=SC_CORES, num_subcores=SC_TILES)


@functools.partial(
    pl.kernel,
    out_type=(jax.ShapeDtypeStruct((NP, D), jnp.float32),
              jax.ShapeDtypeStruct((NP,), jnp.float32),
              jax.ShapeDtypeStruct((NP,), jnp.float32)),
    mesh=_mesh(),
    scratch_types=[
        pltpu.VMEM((ECH,), jnp.int32),
        pltpu.VMEM((ECH,), jnp.float32),
        pltpu.VMEM((RPT,), jnp.float32),
        pltpu.VMEM((GCH,), jnp.int32),
        pltpu.VMEM((GCH, D), jnp.float32),
        pltpu.VMEM_SHARED((NP,), jnp.float32),
        pltpu.SemaphoreType.DMA,
    ],
)
def _sc_embed_deg(table, innodes, dst, h0_out, dega_out, degb_out,
                  didx_v, ones_v, dslice_v, gidx_v, rows_v,
                  deg_sh, sem):
    c = lax.axis_index("c")
    s = lax.axis_index("s")
    wid = c * SC_TILES + s

    def _z(i, _):
        dslice_v[pl.ds(i * 16, 16)] = jnp.zeros((16,), jnp.float32)
        return 0
    lax.fori_loop(0, RPT // 16, _z, 0)
    pltpu.sync_copy(dslice_v, deg_sh.at[pl.ds(s * RPT, RPT)])

    def _o(i, _):
        ones_v[pl.ds(i * 16, 16)] = jnp.ones((16,), jnp.float32)
        return 0
    lax.fori_loop(0, ECH // 16, _o, 0)
    plsc.subcore_barrier()

    ebase = c * (N_EDGES // SC_CORES) + s * EDGE_EPT

    def _deg(i, _):
        pltpu.sync_copy(dst.at[pl.ds(ebase + i * ECH, ECH)], didx_v)
        pltpu.sync_copy(ones_v, deg_sh.at[didx_v], add=True)
        return 0
    lax.fori_loop(0, EDGE_NCH, _deg, 0)
    plsc.subcore_barrier()

    pltpu.sync_copy(deg_sh.at[pl.ds(s * RPT, RPT)], dslice_v)

    @pl.when(c == 0)
    def _():
        pltpu.sync_copy(dslice_v, dega_out.at[pl.ds(s * RPT, RPT)])

    @pl.when(c == 1)
    def _():
        pltpu.sync_copy(dslice_v, degb_out.at[pl.ds(s * RPT, RPT)])

    for j in range(G_PER_TILE):
        cid = wid + NW * j

        @pl.when(cid < GN_CH)
        def _():
            n0 = cid * GCH
            pltpu.sync_copy(innodes.at[pl.ds(n0, GCH)], gidx_v)
            pltpu.async_copy(table.at[gidx_v], rows_v, sem).wait()
            pltpu.sync_copy(rows_v, h0_out.at[pl.ds(n0, GCH), :])

    @pl.when(wid < (NP - N_NODES) // GCH)
    def _():
        def _zr(r, _):
            for k in range(D // 16):
                rows_v[r, pl.ds(k * 16, 16)] = jnp.zeros((16,), jnp.float32)
            return 0
        lax.fori_loop(0, GCH, _zr, 0)
        pltpu.sync_copy(rows_v, h0_out.at[pl.ds(N_NODES + wid * GCH, GCH), :])


@functools.partial(
    pl.kernel,
    out_type=(jax.ShapeDtypeStruct((NP, D), jnp.float32),
              jax.ShapeDtypeStruct((NP, D), jnp.float32)),
    mesh=_mesh(),
    scratch_types=[
        pltpu.VMEM((ECH,), jnp.int32),
        pltpu.VMEM((ECH,), jnp.int32),
        pltpu.VMEM((ECH, D), jnp.float32),
        pltpu.VMEM_SHARED((NP, D), jnp.float32),
        pltpu.SemaphoreType.DMA,
    ],
)
def _sc_edge_pass(u, src, dst, va_out, vb_out, sidx_v, didx_v, msg_v,
                  agg_sh, sem):
    c = lax.axis_index("c")
    s = lax.axis_index("s")

    r0 = s * RPT
    pltpu.sync_copy(u.at[pl.ds(r0, RPT)], agg_sh.at[pl.ds(r0, RPT)])
    plsc.subcore_barrier()

    ebase = c * (N_EDGES // SC_CORES) + s * EDGE_EPT

    def _edge(i, _):
        e0 = ebase + i * ECH
        pltpu.sync_copy(src.at[pl.ds(e0, ECH)], sidx_v)
        pltpu.sync_copy(dst.at[pl.ds(e0, ECH)], didx_v)
        pltpu.async_copy(u.at[sidx_v], msg_v, sem).wait()
        pltpu.sync_copy(msg_v, agg_sh.at[didx_v], add=True)
        return 0
    lax.fori_loop(0, EDGE_NCH, _edge, 0)
    plsc.subcore_barrier()

    @pl.when(c == 0)
    def _():
        pltpu.sync_copy(agg_sh.at[pl.ds(r0, RPT)], va_out.at[pl.ds(r0, RPT)])

    @pl.when(c == 1)
    def _():
        pltpu.sync_copy(agg_sh.at[pl.ds(r0, RPT)], vb_out.at[pl.ds(r0, RPT)])


@functools.partial(
    pl.kernel,
    out_type=jax.ShapeDtypeStruct((B, D), jnp.float32),
    mesh=_mesh(),
    scratch_types=[
        pltpu.VMEM((B // NW,), jnp.int32),
        pltpu.VMEM((B // NW, D), jnp.float32),
        pltpu.SemaphoreType.DMA,
    ],
)
def _sc_gather_rows(h2, outnodes, rep_out, idx_v, rows_v, sem):
    c = lax.axis_index("c")
    s = lax.axis_index("s")
    wid = c * SC_TILES + s
    n = B // NW
    base = wid * n
    pltpu.sync_copy(outnodes.at[pl.ds(base, n)], idx_v)
    pltpu.async_copy(h2.at[idx_v], rows_v, sem).wait()
    pltpu.sync_copy(rows_v, rep_out.at[pl.ds(base, n), :])


def _prep_body(dega_ref, degb_ref, h0_ref, dis_ref, u0_ref):
    dis = lax.rsqrt(dega_ref[...] + degb_ref[...] + 1.0)
    dis_ref[...] = dis
    u0_ref[...] = h0_ref[...] * dis


def _tc_prep(dega_col, degb_col, h0):
    return pl.pallas_call(
        _prep_body,
        grid=(NP // RB,),
        in_specs=[
            pl.BlockSpec((RB, 1), lambda i: (i, 0)),
            pl.BlockSpec((RB, 1), lambda i: (i, 0)),
            pl.BlockSpec((RB, D), lambda i: (i, 0)),
        ],
        out_specs=[
            pl.BlockSpec((RB, 1), lambda i: (i, 0)),
            pl.BlockSpec((RB, D), lambda i: (i, 0)),
        ],
        out_shape=[
            jax.ShapeDtypeStruct((NP, 1), jnp.float32),
            jax.ShapeDtypeStruct((NP, D), jnp.float32),
        ],
    )(dega_col, degb_col, h0)


def _layer_body(va_ref, vb_ref, u_ref, dis_ref, w_ref, o_ref, *, scale_out):
    x = (va_ref[...] + vb_ref[...] - u_ref[...]) * dis_ref[...]
    y = jnp.maximum(
        jnp.dot(x, w_ref[...], preferred_element_type=jnp.float32), 0.0)
    if scale_out:
        y = y * dis_ref[...]
    o_ref[...] = y


def _tc_layer(va, vb, u, dis_col, w, scale_out):
    return pl.pallas_call(
        functools.partial(_layer_body, scale_out=scale_out),
        grid=(NP // RB,),
        in_specs=[
            pl.BlockSpec((RB, D), lambda i: (i, 0)),
            pl.BlockSpec((RB, D), lambda i: (i, 0)),
            pl.BlockSpec((RB, D), lambda i: (i, 0)),
            pl.BlockSpec((RB, 1), lambda i: (i, 0)),
            pl.BlockSpec((D, D), lambda i: (0, 0)),
        ],
        out_specs=pl.BlockSpec((RB, D), lambda i: (i, 0)),
        out_shape=jax.ShapeDtypeStruct((NP, D), jnp.float32),
    )(va, vb, u, dis_col, w)


def _loss_body(rep_ref, se_ref, soft_ref, hard_ref, wc1_ref, wc2_ref, bc_ref,
               o_ref):
    logits = (
        jnp.dot(rep_ref[...], wc1_ref[...], preferred_element_type=jnp.float32)
        + jnp.dot(se_ref[...], wc2_ref[...], preferred_element_type=jnp.float32)
        + bc_ref[...])
    m = jnp.max(logits, axis=-1, keepdims=True)
    lse = m + jnp.log(jnp.sum(jnp.exp(logits - m), axis=-1, keepdims=True))
    logp = logits - lse

    soft = soft_ref[...]
    sm = jnp.max(soft, axis=-1, keepdims=True)
    te = jnp.exp(soft - sm)
    t = te / jnp.sum(te, axis=-1, keepdims=True)
    kl = jnp.sum(t * (jnp.log(t + 1e-9) - logp)) / B

    cls = lax.broadcasted_iota(jnp.int32, (B, NCLS), 1)
    onehot = cls == hard_ref[...]
    ce = -jnp.sum(jnp.where(onehot, logp, 0.0)) / B
    o_ref[...] = jnp.reshape(kl + LAM * ce, (1, 1))


def _tc_loss(rep, se, soft, hard2d, wc1, wc2, bc2d):
    return pl.pallas_call(
        _loss_body,
        out_shape=jax.ShapeDtypeStruct((1, 1), jnp.float32),
    )(rep, se, soft, hard2d, wc1, wc2, bc2d)


def kernel(input_nodes, edge_index, output_nodes, sentence_emb, soft_labels,
           hard_labels, emb_table, W1, W2, Wc, bc):
    src = edge_index[0]
    dst = edge_index[1]

    h0, dega, degb = _sc_embed_deg(emb_table, input_nodes, dst)
    dis_col, u0 = _tc_prep(dega.reshape(NP, 1), degb.reshape(NP, 1), h0)

    va1, vb1 = _sc_edge_pass(u0, src, dst)
    u1 = _tc_layer(va1, vb1, u0, dis_col, W1, scale_out=True)

    va2, vb2 = _sc_edge_pass(u1, src, dst)
    h2 = _tc_layer(va2, vb2, u1, dis_col, W2, scale_out=False)

    rep = _sc_gather_rows(h2, output_nodes)

    loss = _tc_loss(rep, sentence_emb, soft_labels, hard_labels[:, None],
                    Wc[:D], Wc[D:], bc[None, :])
    return loss[0, 0]

# --- scband reference (transcript-rebuilt; emitter-appended) ---
"""Pipeline reference for scband-sentence-bert-gnndistill-68805376082547 (READ-ONLY COPY).

The authoritative reference and input builder live on the scoring server;
editing this copy changes nothing except your own understanding.
"""

import jax, jax.numpy as jnp
import numpy as np

N_NODES = 10000
N_EDGES = 320000
NUM_EMB = 100000
D = 128
BERT_D = 384
B = 1024
NC = 10
LAM = 0.5


def setup_inputs(seed: int = 0) -> dict:
    key = jax.random.key(seed)
    ks = jax.random.split(key, 12)
    input_nodes = jax.random.randint(ks[0], (N_NODES,), 0, NUM_EMB)
    edge_index = jax.random.randint(ks[1], (2, N_EDGES), 0, N_NODES)
    output_nodes = jax.random.randint(ks[2], (B,), 0, N_NODES)
    sentence_emb = jax.random.normal(ks[3], (B, BERT_D), dtype=jnp.float32)
    soft_labels = jax.random.normal(ks[4], (B, NC), dtype=jnp.float32)
    hard_labels = jax.random.randint(ks[5], (B,), 0, NC)
    emb_table = jax.random.normal(ks[6], (NUM_EMB, D), dtype=jnp.float32) * 0.02
    W1 = jax.random.normal(ks[7], (D, D), dtype=jnp.float32) * (1.0 / np.sqrt(D))
    W2 = jax.random.normal(ks[8], (D, D), dtype=jnp.float32) * (1.0 / np.sqrt(D))
    Wc = jax.random.normal(ks[9], (D + BERT_D, NC), dtype=jnp.float32) * 0.02
    bc = jnp.zeros((NC,), dtype=jnp.float32)
    return {
        'input_nodes': input_nodes,
        'edge_index': edge_index,
        'output_nodes': output_nodes,
        'sentence_emb': sentence_emb,
        'soft_labels': soft_labels,
        'hard_labels': hard_labels,
        'emb_table': emb_table,
        'W1': W1,
        'W2': W2,
        'Wc': Wc,
        'bc': bc,
    }


def reference(input_nodes, edge_index, output_nodes, sentence_emb, soft_labels,
              hard_labels, emb_table, W1, W2, Wc, bc):
    src = edge_index[0]
    dst = edge_index[1]
    # node embedding lookup for the sampled subgraph (nn.Embedding)
    h = jnp.take(emb_table, input_nodes, axis=0)
    # symmetric GCN normalization with self-loops
    deg = jax.ops.segment_sum(jnp.ones((N_EDGES,), dtype=jnp.float32), dst,
                              num_segments=N_NODES) + 1.0
    dis = jax.lax.rsqrt(deg)
    # 2-layer GCN message passing (gather -> scatter-add -> dense)
    for W in (W1, W2):
        msg = jnp.take(h, src, axis=0) * dis[src][:, None]
        agg = jax.ops.segment_sum(msg, dst, num_segments=N_NODES)
        h = jax.nn.relu((agg * dis[:, None] + h * (dis * dis)[:, None]) @ W)
    # select seed (output) nodes, concat with sentence-BERT embeddings
    rep = jnp.take(h, output_nodes, axis=0)
    feat = jnp.concatenate([rep, sentence_emb], axis=-1)
    logits = feat @ Wc + bc
    log_p = jax.nn.log_softmax(logits, axis=-1)
    # distillation: KL against teacher soft labels + lambda * hard-label CE
    t = jax.nn.softmax(soft_labels, axis=-1)
    kl = jnp.mean(jnp.sum(t * (jnp.log(t + 1e-9) - log_p), axis=-1))
    ce = -jnp.mean(jnp.take_along_axis(log_p, hard_labels[:, None], axis=1))
    loss = kl + LAM * ce
    return loss

if __name__ == "__main__":
    import jax
    _d = setup_inputs()
    print(jax.jit(kernel)(*tuple(_d.values())))

</pallas_src>

<mosaic_0001>
#map = affine_map<(d0, d1) -> (0, 0)>
#map1 = affine_map<(d0, d1) -> (0)>
module attributes {stable_mosaic.version = 14 : i64} {
  func.func @_sc_edge_pass(%arg0: i32, %arg1: i32, %arg2: memref<10240x128xf32, #tpu.memory_space<hbm>>, %arg3: memref<320000xi32, #tpu.memory_space<hbm>>, %arg4: memref<320000xi32, #tpu.memory_space<hbm>>, %arg5: memref<10240x128xf32, #tpu.memory_space<hbm>>, %arg6: memref<10240x128xf32, #tpu.memory_space<hbm>>, %arg7: memref<80xi32, #tpu.memory_space<vmem>>, %arg8: memref<80xi32, #tpu.memory_space<vmem>>, %arg9: memref<80x128xf32, #tpu.memory_space<vmem>>, %arg10: memref<10240x128xf32, #tpu.memory_space<vmem_shared>>, %arg11: memref<!tpu.dma_semaphore, #tpu.memory_space<semaphore_mem>>) attributes {dimension_semantics = [#tpu.dimension_semantics<core_parallel>, #tpu.dimension_semantics<subcore_parallel>], iteration_bounds = array<i64: 2, 16>, scalar_prefetch = 0 : i64, scratch_operands = 5 : i64, tpu.core_type = #tpu.core_type<sc_vector_subcore>, window_params = [{transform_indices = #map}, {transform_indices = #map1}, {transform_indices = #map1}, {transform_indices = #map}, {transform_indices = #map}]} {
    %mul3A = arith.constant 640 : i32
    %mul3A_0 = arith.muli %arg1, %mul3A : i32
    "tpu.region"() ({
      %run_scoped3A = tpu.sem_alloc : memref<!tpu.dma_semaphore, #tpu.memory_space<semaphore_mem>>
      %dma_start3A = arith.constant 0 : i32
      %dma_start3A_19 = tpu.memref_slice %arg10[%mul3A_0, %dma_start3A] : memref<10240x128xf32, #tpu.memory_space<vmem_shared>> -> memref<640x128xf32, #tpu.memory_space<vmem_shared>>
      %dma_start3A_20 = arith.constant 0 : i32
      %dma_start3A_21 = tpu.memref_slice %arg2[%mul3A_0, %dma_start3A_20] : memref<10240x128xf32, #tpu.memory_space<hbm>> -> memref<640x128xf32, #tpu.memory_space<hbm>>
      tpu.enqueue_dma source(%dma_start3A_21 : memref<640x128xf32, #tpu.memory_space<hbm>>) target(%dma_start3A_19 : memref<640x128xf32, #tpu.memory_space<vmem_shared>>) target_semaphore(%run_scoped3A : memref<!tpu.dma_semaphore, #tpu.memory_space<semaphore_mem>>)
      %dma_wait3A = arith.constant 0 : i32
      %dma_wait3A_22 = tpu.memref_slice %arg10[%mul3A_0, %dma_wait3A] : memref<10240x128xf32, #tpu.memory_space<vmem_shared>> -> memref<640x128xf32, #tpu.memory_space<vmem_shared>>
      %dma_wait3A_23 = arith.constant 0 : i32
      %dma_wait3A_24 = tpu.memref_slice %arg2[%mul3A_0, %dma_wait3A_23] : memref<10240x128xf32, #tpu.memory_space<hbm>> -> memref<640x128xf32, #tpu.memory_space<hbm>>
      tpu.wait_dma2 semaphore(%run_scoped3A : memref<!tpu.dma_semaphore, #tpu.memory_space<semaphore_mem>>) src(%dma_wait3A_24 : memref<640x128xf32, #tpu.memory_space<hbm>>) dst(%dma_wait3A_22 : memref<640x128xf32, #tpu.memory_space<vmem_shared>>)
      tpu.yield
    }) : () -> ()
    %barrier3A = arith.constant 0 : index
    tpu.barrier barrier_id(%barrier3A)
    %mul3A_1 = arith.constant 160000 : i32
    %mul3A_2 = arith.muli %arg0, %mul3A_1 : i32
    %mul3A_3 = arith.constant 10000 : i32
    %mul3A_4 = arith.muli %arg1, %mul3A_3 : i32
    %add3A = arith.addi %mul3A_2, %mul3A_4 : i32
    %scan3A = arith.constant 0 : i32
    %scan3A_5 = arith.constant 0 : i32
    %scan3A_6 = arith.constant 125 : i32
    %scan3A_7 = arith.addi %scan3A_5, %scan3A_6 : i32
    %scan3A_8 = arith.constant 1 : i32
    %scan3A_9 = scf.for %scan3A_19 = %scan3A_5 to %scan3A_7 step %scan3A_8 iter_args(%scan3A_20 = %scan3A) -> (i32)  : i32 {
      %mul3A_21 = arith.constant 80 : i32
      %mul3A_22 = arith.muli %scan3A_19, %mul3A_21 : i32
      %add3A_23 = arith.addi %add3A, %mul3A_22 : i32
      "tpu.region"() ({
        %run_scoped3A = tpu.sem_alloc : memref<!tpu.dma_semaphore, #tpu.memory_space<semaphore_mem>>
        %dma_start3A_29 = tpu.memref_slice %arg3[%add3A_23] : memref<320000xi32, #tpu.memory_space<hbm>> -> memref<80xi32, #tpu.memory_space<hbm>>
        %dma_start3A_30 = tpu.memref_slice %arg3[%add3A_23] : memref<320000xi32, #tpu.memory_space<hbm>> -> memref<80xi32, #tpu.memory_space<hbm>>
        tpu.enqueue_dma source(%dma_start3A_30 : memref<80xi32, #tpu.memory_space<hbm>>) target(%arg7 : memref<80xi32, #tpu.memory_space<vmem>>) target_semaphore(%run_scoped3A : memref<!tpu.dma_semaphore, #tpu.memory_space<semaphore_mem>>)
        %dma_wait3A_31 = tpu.memref_slice %arg3[%add3A_23] : memref<320000xi32, #tpu.memory_space<hbm>> -> memref<80xi32, #tpu.memory_space<hbm>>
        %dma_wait3A_32 = tpu.memref_slice %arg3[%add3A_23] : memref<320000xi32, #tpu.memory_space<hbm>> -> memref<80xi32, #tpu.memory_space<hbm>>
        tpu.wait_dma2 semaphore(%run_scoped3A : memref<!tpu.dma_semaphore, #tpu.memory_space<semaphore_mem>>) src(%dma_wait3A_32 : memref<80xi32, #tpu.memory_space<hbm>>) dst(%arg7 : memref<80xi32, #tpu.memory_space<vmem>>)
        tpu.yield
      }) : () -> ()
      "tpu.region"() ({
        %run_scoped3A = tpu.sem_alloc : memref<!tpu.dma_semaphore, #tpu.memory_space<semaphore_mem>>
        %dma_start3A_29 = tpu.memref_slice %arg4[%add3A_23] : memref<320000xi32, #tpu.memory_space<hbm>> -> memref<80xi32, #tpu.memory_space<hbm>>
        %dma_start3A_30 = tpu.memref_slice %arg4[%add3A_23] : memref<320000xi32, #tpu.memory_space<hbm>> -> memref<80xi32, #tpu.memory_space<hbm>>
        tpu.enqueue_dma source(%dma_start3A_30 : memref<80xi32, #tpu.memory_space<hbm>>) target(%arg8 : memref<80xi32, #tpu.memory_space<vmem>>) target_semaphore(%run_scoped3A : memref<!tpu.dma_semaphore, #tpu.memory_space<semaphore_mem>>)
        %dma_wait3A_31 = tpu.memref_slice %arg4[%add3A_23] : memref<320000xi32, #tpu.memory_space<hbm>> -> memref<80xi32, #tpu.memory_space<hbm>>
        %dma_wait3A_32 = tpu.memref_slice %arg4[%add3A_23] : memref<320000xi32, #tpu.memory_space<hbm>> -> memref<80xi32, #tpu.memory_space<hbm>>
        tpu.wait_dma2 semaphore(%run_scoped3A : memref<!tpu.dma_semaphore, #tpu.memory_space<semaphore_mem>>) src(%dma_wait3A_32 : memref<80xi32, #tpu.memory_space<hbm>>) dst(%arg8 : memref<80xi32, #tpu.memory_space<vmem>>)
        tpu.yield
      }) : () -> ()
      %dma_start3A = arith.constant 0 : i32
      %dma_start3A_24 = arith.constant 0 : i32
      %dma_start3A_25 = tpu.memref_slice %arg2[%dma_start3A, %dma_start3A_24] : memref<10240x128xf32, #tpu.memory_space<hbm>> -> memref<10240x128xf32, #tpu.memory_space<hbm>>
      tpu.enqueue_indirect_dma source(%dma_start3A_25 : memref<10240x128xf32, #tpu.memory_space<hbm>>) target(%arg9 : memref<80x128xf32, #tpu.memory_space<vmem>>) offsets(%arg7 : memref<80xi32, #tpu.memory_space<vmem>>) semaphore(%arg11 : memref<!tpu.dma_semaphore, #tpu.memory_space<semaphore_mem>>)
      %dma_wait3A = arith.constant 0 : i32
      %dma_wait3A_26 = arith.constant 0 : i32
      %dma_wait3A_27 = tpu.memref_slice %arg2[%dma_wait3A, %dma_wait3A_26] : memref<10240x128xf32, #tpu.memory_space<hbm>> -> memref<10240x128xf32, #tpu.memory_space<hbm>>
      tpu.wait_indirect_dma semaphore(%arg11 : memref<!tpu.dma_semaphore, #tpu.memory_space<semaphore_mem>>) src(%dma_wait3A_27 : memref<10240x128xf32, #tpu.memory_space<hbm>>) dst(%arg9 : memref<80x128xf32, #tpu.memory_space<vmem>>)
      "tpu.region"() ({
        %run_scoped3A = tpu.sem_alloc : memref<!tpu.dma_semaphore, #tpu.memory_space<semaphore_mem>>
        %dma_start3A_29 = arith.constant 0 : i32
        %dma_start3A_30 = arith.constant 0 : i32
        %dma_start3A_31 = tpu.memref_slice %arg10[%dma_start3A_29, %dma_start3A_30] : memref<10240x128xf32, #tpu.memory_space<vmem_shared>> -> memref<10240x128xf32, #tpu.memory_space<vmem_shared>>
        tpu.enqueue_indirect_dma source(%arg9 : memref<80x128xf32, #tpu.memory_space<vmem>>) target(%dma_start3A_31 : memref<10240x128xf32, #tpu.memory_space<vmem_shared>>) offsets(%arg8 : memref<80xi32, #tpu.memory_space<vmem>>) semaphore(%run_scoped3A : memref<!tpu.dma_semaphore, #tpu.memory_space<semaphore_mem>>) {add = true}
        %dma_wait3A_32 = arith.constant 0 : i32
        %dma_wait3A_33 = arith.constant 0 : i32
        %dma_wait3A_34 = tpu.memref_slice %arg10[%dma_wait3A_32, %dma_wait3A_33] : memref<10240x128xf32, #tpu.memory_space<vmem_shared>> -> memref<10240x128xf32, #tpu.memory_space<vmem_shared>>
        tpu.wait_indirect_dma semaphore(%run_scoped3A : memref<!tpu.dma_semaphore, #tpu.memory_space<semaphore_mem>>) src(%arg9 : memref<80x128xf32, #tpu.memory_space<vmem>>) dst(%dma_wait3A_34 : memref<10240x128xf32, #tpu.memory_space<vmem_shared>>)
        tpu.yield
      }) : () -> ()
      %scan3A_28 = arith.constant 0 : i32
      scf.yield %scan3A_28 : i32
    }
    %scan3A_10 = arith.constant 125 : i32
    %barrier3A_11 = arith.constant 0 : index
    tpu.barrier barrier_id(%barrier3A_11)
    %eq3A = arith.constant 0 : i32
    %eq3A_12 = arith.cmpi eq, %arg0, %eq3A : i32
    %convert_element_type3A = arith.extui %eq3A_12 : i1 to i32
    %cond3A = arith.constant 0 : i32
    %cond3A_13 = arith.cmpi ne, %convert_element_type3A, %cond3A : i32
    scf.if %cond3A_13 {
      "tpu.region"() ({
        %run_scoped3A = tpu.sem_alloc : memref<!tpu.dma_semaphore, #tpu.memory_space<semaphore_mem>>
        %dma_start3A = arith.constant 0 : i32
        %dma_start3A_19 = tpu.memref_slice %arg5[%mul3A_0, %dma_start3A] : memref<10240x128xf32, #tpu.memory_space<hbm>> -> memref<640x128xf32, #tpu.memory_space<hbm>>
        %dma_start3A_20 = arith.constant 0 : i32
        %dma_start3A_21 = tpu.memref_slice %arg10[%mul3A_0, %dma_start3A_20] : memref<10240x128xf32, #tpu.memory_space<vmem_shared>> -> memref<640x128xf32, #tpu.memory_space<vmem_shared>>
        tpu.enqueue_dma source(%dma_start3A_21 : memref<640x128xf32, #tpu.memory_space<vmem_shared>>) target(%dma_start3A_19 : memref<640x128xf32, #tpu.memory_space<hbm>>) target_semaphore(%run_scoped3A : memref<!tpu.dma_semaphore, #tpu.memory_space<semaphore_mem>>)
        %dma_wait3A = arith.constant 0 : i32
        %dma_wait3A_22 = tpu.memref_slice %arg5[%mul3A_0, %dma_wait3A] : memref<10240x128xf32, #tpu.memory_space<hbm>> -> memref<640x128xf32, #tpu.memory_space<hbm>>
        %dma_wait3A_23 = arith.constant 0 : i32
        %dma_wait3A_24 = tpu.memref_slice %arg10[%mul3A_0, %dma_wait3A_23] : memref<10240x128xf32, #tpu.memory_space<vmem_shared>> -> memref<640x128xf32, #tpu.memory_space<vmem_shared>>
        tpu.wait_dma2 semaphore(%run_scoped3A : memref<!tpu.dma_semaphore, #tpu.memory_space<semaphore_mem>>) src(%dma_wait3A_24 : memref<640x128xf32, #tpu.memory_space<vmem_shared>>) dst(%dma_wait3A_22 : memref<640x128xf32, #tpu.memory_space<hbm>>)
        tpu.yield
      }) : () -> ()
    } else {
    }
    %eq3A_14 = arith.constant 1 : i32
    %eq3A_15 = arith.cmpi eq, %arg0, %eq3A_14 : i32
    %convert_element_type3A_16 = arith.extui %eq3A_15 : i1 to i32
    %cond3A_17 = arith.constant 0 : i32
    %cond3A_18 = arith.cmpi ne, %convert_element_type3A_16, %cond3A_17 : i32
    scf.if %cond3A_18 {
      "tpu.region"() ({
        %run_scoped3A = tpu.sem_alloc : memref<!tpu.dma_semaphore, #tpu.memory_space<semaphore_mem>>
        %dma_start3A = arith.constant 0 : i32
        %dma_start3A_19 = tpu.memref_slice %arg6[%mul3A_0, %dma_start3A] : memref<10240x128xf32, #tpu.memory_space<hbm>> -> memref<640x128xf32, #tpu.memory_space<hbm>>
        %dma_start3A_20 = arith.constant 0 : i32
        %dma_start3A_21 = tpu.memref_slice %arg10[%mul3A_0, %dma_start3A_20] : memref<10240x128xf32, #tpu.memory_space<vmem_shared>> -> memref<640x128xf32, #tpu.memory_space<vmem_shared>>
        tpu.enqueue_dma source(%dma_start3A_21 : memref<640x128xf32, #tpu.memory_space<vmem_shared>>) target(%dma_start3A_19 : memref<640x128xf32, #tpu.memory_space<hbm>>) target_semaphore(%run_scoped3A : memref<!tpu.dma_semaphore, #tpu.memory_space<semaphore_mem>>)
        %dma_wait3A = arith.constant 0 : i32
        %dma_wait3A_22 = tpu.memref_slice %arg6[%mul3A_0, %dma_wait3A] : memref<10240x128xf32, #tpu.memory_space<hbm>> -> memref<640x128xf32, #tpu.memory_space<hbm>>
        %dma_wait3A_23 = arith.constant 0 : i32
        %dma_wait3A_24 = tpu.memref_slice %arg10[%mul3A_0, %dma_wait3A_23] : memref<10240x128xf32, #tpu.memory_space<vmem_shared>> -> memref<640x128xf32, #tpu.memory_space<vmem_shared>>
        tpu.wait_dma2 semaphore(%run_scoped3A : memref<!tpu.dma_semaphore, #tpu.memory_space<semaphore_mem>>) src(%dma_wait3A_24 : memref<640x128xf32, #tpu.memory_space<vmem_shared>>) dst(%dma_wait3A_22 : memref<640x128xf32, #tpu.memory_space<hbm>>)
        tpu.yield
      }) : () -> ()
    } else {
    }
    return
  }
}

#map = affine_map<(d0, d1) -> (0, 0)>
#map1 = affine_map<(d0, d1) -> (0)>
module attributes {stable_mosaic.version = 14 : i64} {
  func.func @_sc_gather_rows(%arg0: i32, %arg1: i32, %arg2: memref<10240x128xf32, #tpu.memory_space<hbm>>, %arg3: memref<1024xi32, #tpu.memory_space<hbm>>, %arg4: memref<1024x128xf32, #tpu.memory_space<hbm>>, %arg5: memref<32xi32, #tpu.memory_space<vmem>>, %arg6: memref<32x128xf32, #tpu.memory_space<vmem>>, %arg7: memref<!tpu.dma_semaphore, #tpu.memory_space<semaphore_mem>>) attributes {dimension_semantics = [#tpu.dimension_semantics<core_parallel>, #tpu.dimension_semantics<subcore_parallel>], iteration_bounds = array<i64: 2, 16>, scalar_prefetch = 0 : i64, scratch_operands = 3 : i64, tpu.core_type = #tpu.core_type<sc_vector_subcore>, window_params = [{transform_indices = #map}, {transform_indices = #map1}, {transform_indices = #map}]} {
    %mul3A = arith.constant 16 : i32
    %mul3A_0 = arith.muli %arg0, %mul3A : i32
    %add3A = arith.addi %mul3A_0, %arg1 : i32
    %mul3A_1 = arith.constant 32 : i32
    %mul3A_2 = arith.muli %add3A, %mul3A_1 : i32
    "tpu.region"() ({
      %run_scoped3A = tpu.sem_alloc : memref<!tpu.dma_semaphore, #tpu.memory_space<semaphore_mem>>
      %dma_start3A_7 = tpu.memref_slice %arg3[%mul3A_2] : memref<1024xi32, #tpu.memory_space<hbm>> -> memref<32xi32, #tpu.memory_space<hbm>>
      %dma_start3A_8 = tpu.memref_slice %arg3[%mul3A_2] : memref<1024xi32, #tpu.memory_space<hbm>> -> memref<32xi32, #tpu.memory_space<hbm>>
      tpu.enqueue_dma source(%dma_start3A_8 : memref<32xi32, #tpu.memory_space<hbm>>) target(%arg5 : memref<32xi32, #tpu.memory_space<vmem>>) target_semaphore(%run_scoped3A : memref<!tpu.dma_semaphore, #tpu.memory_space<semaphore_mem>>)
      %dma_wait3A_9 = tpu.memref_slice %arg3[%mul3A_2] : memref<1024xi32, #tpu.memory_space<hbm>> -> memref<32xi32, #tpu.memory_space<hbm>>
      %dma_wait3A_10 = tpu.memref_slice %arg3[%mul3A_2] : memref<1024xi32, #tpu.memory_space<hbm>> -> memref<32xi32, #tpu.memory_space<hbm>>
      tpu.wait_dma2 semaphore(%run_scoped3A : memref<!tpu.dma_semaphore, #tpu.memory_space<semaphore_mem>>) src(%dma_wait3A_10 : memref<32xi32, #tpu.memory_space<hbm>>) dst(%arg5 : memref<32xi32, #tpu.memory_space<vmem>>)
      tpu.yield
    }) : () -> ()
    %dma_start3A = arith.constant 0 : i32
    %dma_start3A_3 = arith.constant 0 : i32
    %dma_start3A_4 = tpu.memref_slice %arg2[%dma_start3A, %dma_start3A_3] : memref<10240x128xf32, #tpu.memory_space<hbm>> -> memref<10240x128xf32, #tpu.memory_space<hbm>>
    tpu.enqueue_indirect_dma source(%dma_start3A_4 : memref<10240x128xf32, #tpu.memory_space<hbm>>) target(%arg6 : memref<32x128xf32, #tpu.memory_space<vmem>>) offsets(%arg5 : memref<32xi32, #tpu.memory_space<vmem>>) semaphore(%arg7 : memref<!tpu.dma_semaphore, #tpu.memory_space<semaphore_mem>>)
    %dma_wait3A = arith.constant 0 : i32
    %dma_wait3A_5 = arith.constant 0 : i32
    %dma_wait3A_6 = tpu.memref_slice %arg2[%dma_wait3A, %dma_wait3A_5] : memref<10240x128xf32, #tpu.memory_space<hbm>> -> memref<10240x128xf32, #tpu.memory_space<hbm>>
    tpu.wait_indirect_dma semaphore(%arg7 : memref<!tpu.dma_semaphore, #tpu.memory_space<semaphore_mem>>) src(%dma_wait3A_6 : memref<10240x128xf32, #tpu.memory_space<hbm>>) dst(%arg6 : memref<32x128xf32, #tpu.memory_space<vmem>>)
    "tpu.region"() ({
      %run_scoped3A = tpu.sem_alloc : memref<!tpu.dma_semaphore, #tpu.memory_space<semaphore_mem>>
      %dma_start3A_7 = arith.constant 0 : i32
      %dma_start3A_8 = tpu.memref_slice %arg4[%mul3A_2, %dma_start3A_7] : memref<1024x128xf32, #tpu.memory_space<hbm>> -> memref<32x128xf32, #tpu.memory_space<hbm>>
      %dma_start3A_9 = arith.constant 0 : i32
      %dma_start3A_10 = tpu.memref_slice %arg4[%mul3A_2, %dma_start3A_9] : memref<1024x128xf32, #tpu.memory_space<hbm>> -> memref<32x128xf32, #tpu.memory_space<hbm>>
      tpu.enqueue_dma source(%arg6 : memref<32x128xf32, #tpu.memory_space<vmem>>) target(%dma_start3A_10 : memref<32x128xf32, #tpu.memory_space<hbm>>) target_semaphore(%run_scoped3A : memref<!tpu.dma_semaphore, #tpu.memory_space<semaphore_mem>>)
      %dma_wait3A_11 = arith.constant 0 : i32
      %dma_wait3A_12 = tpu.memref_slice %arg4[%mul3A_2, %dma_wait3A_11] : memref<1024x128xf32, #tpu.memory_space<hbm>> -> memref<32x128xf32, #tpu.memory_space<hbm>>
      %dma_wait3A_13 = arith.constant 0 : i32
      %dma_wait3A_14 = tpu.memref_slice %arg4[%mul3A_2, %dma_wait3A_13] : memref<1024x128xf32, #tpu.memory_space<hbm>> -> memref<32x128xf32, #tpu.memory_space<hbm>>
      tpu.wait_dma2 semaphore(%run_scoped3A : memref<!tpu.dma_semaphore, #tpu.memory_space<semaphore_mem>>) src(%arg6 : memref<32x128xf32, #tpu.memory_space<vmem>>) dst(%dma_wait3A_14 : memref<32x128xf32, #tpu.memory_space<hbm>>)
      tpu.yield
    }) : () -> ()
    return
  }
}

#map = affine_map<(d0, d1) -> (0, 0)>
#map1 = affine_map<(d0, d1) -> (0)>
module attributes {stable_mosaic.version = 14 : i64} {
  func.func @_sc_edge_pass(%arg0: i32, %arg1: i32, %arg2: memref<10240x128xf32, #tpu.memory_space<hbm>>, %arg3: memref<320000xi32, #tpu.memory_space<hbm>>, %arg4: memref<320000xi32, #tpu.memory_space<hbm>>, %arg5: memref<10240x128xf32, #tpu.memory_space<hbm>>, %arg6: memref<10240x128xf32, #tpu.memory_space<hbm>>, %arg7: memref<80xi32, #tpu.memory_space<vmem>>, %arg8: memref<80xi32, #tpu.memory_space<vmem>>, %arg9: memref<80x128xf32, #tpu.memory_space<vmem>>, %arg10: memref<10240x128xf32, #tpu.memory_space<vmem_shared>>, %arg11: memref<!tpu.dma_semaphore, #tpu.memory_space<semaphore_mem>>) attributes {dimension_semantics = [#tpu.dimension_semantics<core_parallel>, #tpu.dimension_semantics<subcore_parallel>], iteration_bounds = array<i64: 2, 16>, scalar_prefetch = 0 : i64, scratch_operands = 5 : i64, tpu.core_type = #tpu.core_type<sc_vector_subcore>, window_params = [{transform_indices = #map}, {transform_indices = #map1}, {transform_indices = #map1}, {transform_indices = #map}, {transform_indices = #map}]} {
    %mul3A = arith.constant 640 : i32
    %mul3A_0 = arith.muli %arg1, %mul3A : i32
    "tpu.region"() ({
      %run_scoped3A = tpu.sem_alloc : memref<!tpu.dma_semaphore, #tpu.memory_space<semaphore_mem>>
      %dma_start3A = arith.constant 0 : i32
      %dma_start3A_19 = tpu.memref_slice %arg10[%mul3A_0, %dma_start3A] : memref<10240x128xf32, #tpu.memory_space<vmem_shared>> -> memref<640x128xf32, #tpu.memory_space<vmem_shared>>
      %dma_start3A_20 = arith.constant 0 : i32
      %dma_start3A_21 = tpu.memref_slice %arg2[%mul3A_0, %dma_start3A_20] : memref<10240x128xf32, #tpu.memory_space<hbm>> -> memref<640x128xf32, #tpu.memory_space<hbm>>
      tpu.enqueue_dma source(%dma_start3A_21 : memref<640x128xf32, #tpu.memory_space<hbm>>) target(%dma_start3A_19 : memref<640x128xf32, #tpu.memory_space<vmem_shared>>) target_semaphore(%run_scoped3A : memref<!tpu.dma_semaphore, #tpu.memory_space<semaphore_mem>>)
      %dma_wait3A = arith.constant 0 : i32
      %dma_wait3A_22 = tpu.memref_slice %arg10[%mul3A_0, %dma_wait3A] : memref<10240x128xf32, #tpu.memory_space<vmem_shared>> -> memref<640x128xf32, #tpu.memory_space<vmem_shared>>
      %dma_wait3A_23 = arith.constant 0 : i32
      %dma_wait3A_24 = tpu.memref_slice %arg2[%mul3A_0, %dma_wait3A_23] : memref<10240x128xf32, #tpu.memory_space<hbm>> -> memref<640x128xf32, #tpu.memory_space<hbm>>
      tpu.wait_dma2 semaphore(%run_scoped3A : memref<!tpu.dma_semaphore, #tpu.memory_space<semaphore_mem>>) src(%dma_wait3A_24 : memref<640x128xf32, #tpu.memory_space<hbm>>) dst(%dma_wait3A_22 : memref<640x128xf32, #tpu.memory_space<vmem_shared>>)
      tpu.yield
    }) : () -> ()
    %barrier3A = arith.constant 0 : index
    tpu.barrier barrier_id(%barrier3A)
    %mul3A_1 = arith.constant 160000 : i32
    %mul3A_2 = arith.muli %arg0, %mul3A_1 : i32
    %mul3A_3 = arith.constant 10000 : i32
    %mul3A_4 = arith.muli %arg1, %mul3A_3 : i32
    %add3A = arith.addi %mul3A_2, %mul3A_4 : i32
    %scan3A = arith.constant 0 : i32
    %scan3A_5 = arith.constant 0 : i32
    %scan3A_6 = arith.constant 125 : i32
    %scan3A_7 = arith.addi %scan3A_5, %scan3A_6 : i32
    %scan3A_8 = arith.constant 1 : i32
    %scan3A_9 = scf.for %scan3A_19 = %scan3A_5 to %scan3A_7 step %scan3A_8 iter_args(%scan3A_20 = %scan3A) -> (i32)  : i32 {
      %mul3A_21 = arith.constant 80 : i32
      %mul3A_22 = arith.muli %scan3A_19, %mul3A_21 : i32
      %add3A_23 = arith.addi %add3A, %mul3A_22 : i32
      "tpu.region"() ({
        %run_scoped3A = tpu.sem_alloc : memref<!tpu.dma_semaphore, #tpu.memory_space<semaphore_mem>>
        %dma_start3A_29 = tpu.memref_slice %arg3[%add3A_23] : memref<320000xi32, #tpu.memory_space<hbm>> -> memref<80xi32, #tpu.memory_space<hbm>>
        %dma_start3A_30 = tpu.memref_slice %arg3[%add3A_23] : memref<320000xi32, #tpu.memory_space<hbm>> -> memref<80xi32, #tpu.memory_space<hbm>>
        tpu.enqueue_dma source(%dma_start3A_30 : memref<80xi32, #tpu.memory_space<hbm>>) target(%arg7 : memref<80xi32, #tpu.memory_space<vmem>>) target_semaphore(%run_scoped3A : memref<!tpu.dma_semaphore, #tpu.memory_space<semaphore_mem>>)
        %dma_wait3A_31 = tpu.memref_slice %arg3[%add3A_23] : memref<320000xi32, #tpu.memory_space<hbm>> -> memref<80xi32, #tpu.memory_space<hbm>>
        %dma_wait3A_32 = tpu.memref_slice %arg3[%add3A_23] : memref<320000xi32, #tpu.memory_space<hbm>> -> memref<80xi32, #tpu.memory_space<hbm>>
        tpu.wait_dma2 semaphore(%run_scoped3A : memref<!tpu.dma_semaphore, #tpu.memory_space<semaphore_mem>>) src(%dma_wait3A_32 : memref<80xi32, #tpu.memory_space<hbm>>) dst(%arg7 : memref<80xi32, #tpu.memory_space<vmem>>)
        tpu.yield
      }) : () -> ()
      "tpu.region"() ({
        %run_scoped3A = tpu.sem_alloc : memref<!tpu.dma_semaphore, #tpu.memory_space<semaphore_mem>>
        %dma_start3A_29 = tpu.memref_slice %arg4[%add3A_23] : memref<320000xi32, #tpu.memory_space<hbm>> -> memref<80xi32, #tpu.memory_space<hbm>>
        %dma_start3A_30 = tpu.memref_slice %arg4[%add3A_23] : memref<320000xi32, #tpu.memory_space<hbm>> -> memref<80xi32, #tpu.memory_space<hbm>>
        tpu.enqueue_dma source(%dma_start3A_30 : memref<80xi32, #tpu.memory_space<hbm>>) target(%arg8 : memref<80xi32, #tpu.memory_space<vmem>>) target_semaphore(%run_scoped3A : memref<!tpu.dma_semaphore, #tpu.memory_space<semaphore_mem>>)
        %dma_wait3A_31 = tpu.memref_slice %arg4[%add3A_23] : memref<320000xi32, #tpu.memory_space<hbm>> -> memref<80xi32, #tpu.memory_space<hbm>>
        %dma_wait3A_32 = tpu.memref_slice %arg4[%add3A_23] : memref<320000xi32, #tpu.memory_space<hbm>> -> memref<80xi32, #tpu.memory_space<hbm>>
        tpu.wait_dma2 semaphore(%run_scoped3A : memref<!tpu.dma_semaphore, #tpu.memory_space<semaphore_mem>>) src(%dma_wait3A_32 : memref<80xi32, #tpu.memory_space<hbm>>) dst(%arg8 : memref<80xi32, #tpu.memory_space<vmem>>)
        tpu.yield
      }) : () -> ()
      %dma_start3A = arith.constant 0 : i32
      %dma_start3A_24 = arith.constant 0 : i32
      %dma_start3A_25 = tpu.memref_slice %arg2[%dma_start3A, %dma_start3A_24] : memref<10240x128xf32, #tpu.memory_space<hbm>> -> memref<10240x128xf32, #tpu.memory_space<hbm>>
      tpu.enqueue_indirect_dma source(%dma_start3A_25 : memref<10240x128xf32, #tpu.memory_space<hbm>>) target(%arg9 : memref<80x128xf32, #tpu.memory_space<vmem>>) offsets(%arg7 : memref<80xi32, #tpu.memory_space<vmem>>) semaphore(%arg11 : memref<!tpu.dma_semaphore, #tpu.memory_space<semaphore_mem>>)
      %dma_wait3A = arith.constant 0 : i32
      %dma_wait3A_26 = arith.constant 0 : i32
      %dma_wait3A_27 = tpu.memref_slice %arg2[%dma_wait3A, %dma_wait3A_26] : memref<10240x128xf32, #tpu.memory_space<hbm>> -> memref<10240x128xf32, #tpu.memory_space<hbm>>
      tpu.wait_indirect_dma semaphore(%arg11 : memref<!tpu.dma_semaphore, #tpu.memory_space<semaphore_mem>>) src(%dma_wait3A_27 : memref<10240x128xf32, #tpu.memory_space<hbm>>) dst(%arg9 : memref<80x128xf32, #tpu.memory_space<vmem>>)
      "tpu.region"() ({
        %run_scoped3A = tpu.sem_alloc : memref<!tpu.dma_semaphore, #tpu.memory_space<semaphore_mem>>
        %dma_start3A_29 = arith.constant 0 : i32
        %dma_start3A_30 = arith.constant 0 : i32
        %dma_start3A_31 = tpu.memref_slice %arg10[%dma_start3A_29, %dma_start3A_30] : memref<10240x128xf32, #tpu.memory_space<vmem_shared>> -> memref<10240x128xf32, #tpu.memory_space<vmem_shared>>
        tpu.enqueue_indirect_dma source(%arg9 : memref<80x128xf32, #tpu.memory_space<vmem>>) target(%dma_start3A_31 : memref<10240x128xf32, #tpu.memory_space<vmem_shared>>) offsets(%arg8 : memref<80xi32, #tpu.memory_space<vmem>>) semaphore(%run_scoped3A : memref<!tpu.dma_semaphore, #tpu.memory_space<semaphore_mem>>) {add = true}
        %dma_wait3A_32 = arith.constant 0 : i32
        %dma_wait3A_33 = arith.constant 0 : i32
        %dma_wait3A_34 = tpu.memref_slice %arg10[%dma_wait3A_32, %dma_wait3A_33] : memref<10240x128xf32, #tpu.memory_space<vmem_shared>> -> memref<10240x128xf32, #tpu.memory_space<vmem_shared>>
        tpu.wait_indirect_dma semaphore(%run_scoped3A : memref<!tpu.dma_semaphore, #tpu.memory_space<semaphore_mem>>) src(%arg9 : memref<80x128xf32, #tpu.memory_space<vmem>>) dst(%dma_wait3A_34 : memref<10240x128xf32, #tpu.memory_space<vmem_shared>>)
        tpu.yield
      }) : () -> ()
      %scan3A_28 = arith.constant 0 : i32
      scf.yield %scan3A_28 : i32
    }
    %scan3A_10 = arith.constant 125 : i32
    %barrier3A_11 = arith.constant 0 : index
    tpu.barrier barrier_id(%barrier3A_11)
    %eq3A = arith.constant 0 : i32
    %eq3A_12 = arith.cmpi eq, %arg0, %eq3A : i32
    %convert_element_type3A = arith.extui %eq3A_12 : i1 to i32
    %cond3A = arith.constant 0 : i32
    %cond3A_13 = arith.cmpi ne, %convert_element_type3A, %cond3A : i32
    scf.if %cond3A_13 {
      "tpu.region"() ({
        %run_scoped3A = tpu.sem_alloc : memref<!tpu.dma_semaphore, #tpu.memory_space<semaphore_mem>>
        %dma_start3A = arith.constant 0 : i32
        %dma_start3A_19 = tpu.memref_slice %arg5[%mul3A_0, %dma_start3A] : memref<10240x128xf32, #tpu.memory_space<hbm>> -> memref<640x128xf32, #tpu.memory_space<hbm>>
        %dma_start3A_20 = arith.constant 0 : i32
        %dma_start3A_21 = tpu.memref_slice %arg10[%mul3A_0, %dma_start3A_20] : memref<10240x128xf32, #tpu.memory_space<vmem_shared>> -> memref<640x128xf32, #tpu.memory_space<vmem_shared>>
        tpu.enqueue_dma source(%dma_start3A_21 : memref<640x128xf32, #tpu.memory_space<vmem_shared>>) target(%dma_start3A_19 : memref<640x128xf32, #tpu.memory_space<hbm>>) target_semaphore(%run_scoped3A : memref<!tpu.dma_semaphore, #tpu.memory_space<semaphore_mem>>)
        %dma_wait3A = arith.constant 0 : i32
        %dma_wait3A_22 = tpu.memref_slice %arg5[%mul3A_0, %dma_wait3A] : memref<10240x128xf32, #tpu.memory_space<hbm>> -> memref<640x128xf32, #tpu.memory_space<hbm>>
        %dma_wait3A_23 = arith.constant 0 : i32
        %dma_wait3A_24 = tpu.memref_slice %arg10[%mul3A_0, %dma_wait3A_23] : memref<10240x128xf32, #tpu.memory_space<vmem_shared>> -> memref<640x128xf32, #tpu.memory_space<vmem_shared>>
        tpu.wait_dma2 semaphore(%run_scoped3A : memref<!tpu.dma_semaphore, #tpu.memory_space<semaphore_mem>>) src(%dma_wait3A_24 : memref<640x128xf32, #tpu.memory_space<vmem_shared>>) dst(%dma_wait3A_22 : memref<640x128xf32, #tpu.memory_space<hbm>>)
        tpu.yield
      }) : () -> ()
    } else {
    }
    %eq3A_14 = arith.constant 1 : i32
    %eq3A_15 = arith.cmpi eq, %arg0, %eq3A_14 : i32
    %convert_element_type3A_16 = arith.extui %eq3A_15 : i1 to i32
    %cond3A_17 = arith.constant 0 : i32
    %cond3A_18 = arith.cmpi ne, %convert_element_type3A_16, %cond3A_17 : i32
    scf.if %cond3A_18 {
      "tpu.region"() ({
        %run_scoped3A = tpu.sem_alloc : memref<!tpu.dma_semaphore, #tpu.memory_space<semaphore_mem>>
        %dma_start3A = arith.constant 0 : i32
        %dma_start3A_19 = tpu.memref_slice %arg6[%mul3A_0, %dma_start3A] : memref<10240x128xf32, #tpu.memory_space<hbm>> -> memref<640x128xf32, #tpu.memory_space<hbm>>
        %dma_start3A_20 = arith.constant 0 : i32
        %dma_start3A_21 = tpu.memref_slice %arg10[%mul3A_0, %dma_start3A_20] : memref<10240x128xf32, #tpu.memory_space<vmem_shared>> -> memref<640x128xf32, #tpu.memory_space<vmem_shared>>
        tpu.enqueue_dma source(%dma_start3A_21 : memref<640x128xf32, #tpu.memory_space<vmem_shared>>) target(%dma_start3A_19 : memref<640x128xf32, #tpu.memory_space<hbm>>) target_semaphore(%run_scoped3A : memref<!tpu.dma_semaphore, #tpu.memory_space<semaphore_mem>>)
        %dma_wait3A = arith.constant 0 : i32
        %dma_wait3A_22 = tpu.memref_slice %arg6[%mul3A_0, %dma_wait3A] : memref<10240x128xf32, #tpu.memory_space<hbm>> -> memref<640x128xf32, #tpu.memory_space<hbm>>
        %dma_wait3A_23 = arith.constant 0 : i32
        %dma_wait3A_24 = tpu.memref_slice %arg10[%mul3A_0, %dma_wait3A_23] : memref<10240x128xf32, #tpu.memory_space<vmem_shared>> -> memref<640x128xf32, #tpu.memory_space<vmem_shared>>
        tpu.wait_dma2 semaphore(%run_scoped3A : memref<!tpu.dma_semaphore, #tpu.memory_space<semaphore_mem>>) src(%dma_wait3A_24 : memref<640x128xf32, #tpu.memory_space<vmem_shared>>) dst(%dma_wait3A_22 : memref<640x128xf32, #tpu.memory_space<hbm>>)
        tpu.yield
      }) : () -> ()
    } else {
    }
    return
  }
}

#map = affine_map<(d0, d1) -> (0, 0)>
#map1 = affine_map<(d0, d1) -> (0)>
module attributes {stable_mosaic.version = 14 : i64} {
  func.func @_sc_embed_deg(%arg0: i32, %arg1: i32, %arg2: memref<100000x128xf32, #tpu.memory_space<hbm>>, %arg3: memref<10000xi32, #tpu.memory_space<hbm>>, %arg4: memref<320000xi32, #tpu.memory_space<hbm>>, %arg5: memref<10240x128xf32, #tpu.memory_space<hbm>>, %arg6: memref<10240xf32, #tpu.memory_space<hbm>>, %arg7: memref<10240xf32, #tpu.memory_space<hbm>>, %arg8: memref<80xi32, #tpu.memory_space<vmem>>, %arg9: memref<80xf32, #tpu.memory_space<vmem>>, %arg10: memref<640xf32, #tpu.memory_space<vmem>>, %arg11: memref<80xi32, #tpu.memory_space<vmem>>, %arg12: memref<80x128xf32, #tpu.memory_space<vmem>>, %arg13: memref<10240xf32, #tpu.memory_space<vmem_shared>>, %arg14: memref<!tpu.dma_semaphore, #tpu.memory_space<semaphore_mem>>) attributes {dimension_semantics = [#tpu.dimension_semantics<core_parallel>, #tpu.dimension_semantics<subcore_parallel>], iteration_bounds = array<i64: 2, 16>, scalar_prefetch = 0 : i64, scratch_operands = 7 : i64, tpu.core_type = #tpu.core_type<sc_vector_subcore>, window_params = [{transform_indices = #map}, {transform_indices = #map1}, {transform_indices = #map1}, {transform_indices = #map}, {transform_indices = #map1}, {transform_indices = #map1}]} {
    %mul3A = arith.constant 16 : i32
    %mul3A_0 = arith.muli %arg0, %mul3A : i32
    %add3A = arith.addi %mul3A_0, %arg1 : i32
    %scan3A = arith.constant 0 : i32
    %scan3A_1 = arith.constant 0 : i32
    %scan3A_2 = arith.constant 40 : i32
    %scan3A_3 = arith.addi %scan3A_1, %scan3A_2 : i32
    %scan3A_4 = arith.constant 1 : i32
    %scan3A_5 = scf.for %scan3A_70 = %scan3A_1 to %scan3A_3 step %scan3A_4 iter_args(%scan3A_71 = %scan3A) -> (i32)  : i32 {
      %broadcast_in_dim3A = arith.constant 0.000000e+00 : f32
      %broadcast_in_dim3A_72 = vector.broadcast %broadcast_in_dim3A : f32 to vector<16xf32>
      %mul3A_73 = arith.constant 16 : i32
      %mul3A_74 = arith.muli %scan3A_70, %mul3A_73 : i32
      %swap3A = arith.index_cast %mul3A_74 : i32 to index
      %swap3A_75 = tpu.vector_load %arg10[%swap3A] {strides = array<i32>} : memref<640xf32, #tpu.memory_space<vmem>>, vector<16xf32>,
      %swap3A_76 = vector.shape_cast %swap3A_75 : vector<16xf32> to vector<16xf32>
      %swap3A_77 = vector.shape_cast %broadcast_in_dim3A_72 : vector<16xf32> to vector<16xf32>
      tpu.vector_store %arg10[%swap3A], %swap3A_77 {strides = array<i32>} : memref<640xf32, #tpu.memory_space<vmem>>, vector<16xf32>,
      %scan3A_78 = arith.constant 0 : i32
      scf.yield %scan3A_78 : i32
    }
    %scan3A_6 = arith.constant 40 : i32
    %mul3A_7 = arith.constant 640 : i32
    %mul3A_8 = arith.muli %arg1, %mul3A_7 : i32
    "tpu.region"() ({
      %run_scoped3A = tpu.sem_alloc : memref<!tpu.dma_semaphore, #tpu.memory_space<semaphore_mem>>
      %dma_start3A = tpu.memref_slice %arg13[%mul3A_8] : memref<10240xf32, #tpu.memory_space<vmem_shared>> -> memref<640xf32, #tpu.memory_space<vmem_shared>>
      %dma_start3A_70 = tpu.memref_slice %arg13[%mul3A_8] : memref<10240xf32, #tpu.memory_space<vmem_shared>> -> memref<640xf32, #tpu.memory_space<vmem_shared>>
      tpu.enqueue_dma source(%arg10 : memref<640xf32, #tpu.memory_space<vmem>>) target(%dma_start3A_70 : memref<640xf32, #tpu.memory_space<vmem_shared>>) target_semaphore(%run_scoped3A : memref<!tpu.dma_semaphore, #tpu.memory_space<semaphore_mem>>)
      %dma_wait3A = tpu.memref_slice %arg13[%mul3A_8] : memref<10240xf32, #tpu.memory_space<vmem_shared>> -> memref<640xf32, #tpu.memory_space<vmem_shared>>
      %dma_wait3A_71 = tpu.memref_slice %arg13[%mul3A_8] : memref<10240xf32, #tpu.memory_space<vmem_shared>> -> memref<640xf32, #tpu.memory_space<vmem_shared>>
      tpu.wait_dma2 semaphore(%run_scoped3A : memref<!tpu.dma_semaphore, #tpu.memory_space<semaphore_mem>>) src(%arg10 : memref<640xf32, #tpu.memory_space<vmem>>) dst(%dma_wait3A_71 : memref<640xf32, #tpu.memory_space<vmem_shared>>)
      tpu.yield
    }) : () -> ()
    %scan3A_9 = arith.constant 0 : i32
    %scan3A_10 = arith.constant 0 : i32
    %scan3A_11 = arith.constant 5 : i32
    %scan3A_12 = arith.addi %scan3A_10, %scan3A_11 : i32
    %scan3A_13 = arith.constant 1 : i32
    %scan3A_14 = scf.for %scan3A_70 = %scan3A_10 to %scan3A_12 step %scan3A_13 iter_args(%scan3A_71 = %scan3A_9) -> (i32)  : i32 {
      %broadcast_in_dim3A = arith.constant 1.000000e+00 : f32
      %broadcast_in_dim3A_72 = vector.broadcast %broadcast_in_dim3A : f32 to vector<16xf32>
      %mul3A_73 = arith.constant 16 : i32
      %mul3A_74 = arith.muli %scan3A_70, %mul3A_73 : i32
      %swap3A = arith.index_cast %mul3A_74 : i32 to index
      %swap3A_75 = tpu.vector_load %arg9[%swap3A] {strides = array<i32>} : memref<80xf32, #tpu.memory_space<vmem>>, vector<16xf32>,
      %swap3A_76 = vector.shape_cast %swap3A_75 : vector<16xf32> to vector<16xf32>
      %swap3A_77 = vector.shape_cast %broadcast_in_dim3A_72 : vector<16xf32> to vector<16xf32>
      tpu.vector_store %arg9[%swap3A], %swap3A_77 {strides = array<i32>} : memref<80xf32, #tpu.memory_space<vmem>>, vector<16xf32>,
      %scan3A_78 = arith.constant 0 : i32
      scf.yield %scan3A_78 : i32
    }
    %scan3A_15 = arith.constant 5 : i32
    %barrier3A = arith.constant 0 : index
    tpu.barrier barrier_id(%barrier3A)
    %mul3A_16 = arith.constant 160000 : i32
    %mul3A_17 = arith.muli %arg0, %mul3A_16 : i32
    %mul3A_18 = arith.constant 10000 : i32
    %mul3A_19 = arith.muli %arg1, %mul3A_18 : i32
    %add3A_20 = arith.addi %mul3A_17, %mul3A_19 : i32
    %scan3A_21 = arith.constant 0 : i32
    %scan3A_22 = arith.constant 0 : i32
    %scan3A_23 = arith.constant 125 : i32
    %scan3A_24 = arith.addi %scan3A_22, %scan3A_23 : i32
    %scan3A_25 = arith.constant 1 : i32
    %scan3A_26 = scf.for %scan3A_70 = %scan3A_22 to %scan3A_24 step %scan3A_25 iter_args(%scan3A_71 = %scan3A_21) -> (i32)  : i32 {
      %mul3A_72 = arith.constant 80 : i32
      %mul3A_73 = arith.muli %scan3A_70, %mul3A_72 : i32
      %add3A_74 = arith.addi %add3A_20, %mul3A_73 : i32
      "tpu.region"() ({
        %run_scoped3A = tpu.sem_alloc : memref<!tpu.dma_semaphore, #tpu.memory_space<semaphore_mem>>
        %dma_start3A = tpu.memref_slice %arg4[%add3A_74] : memref<320000xi32, #tpu.memory_space<hbm>> -> memref<80xi32, #tpu.memory_space<hbm>>
        %dma_start3A_76 = tpu.memref_slice %arg4[%add3A_74] : memref<320000xi32, #tpu.memory_space<hbm>> -> memref<80xi32, #tpu.memory_space<hbm>>
        tpu.enqueue_dma source(%dma_start3A_76 : memref<80xi32, #tpu.memory_space<hbm>>) target(%arg8 : memref<80xi32, #tpu.memory_space<vmem>>) target_semaphore(%run_scoped3A : memref<!tpu.dma_semaphore, #tpu.memory_space<semaphore_mem>>)
        %dma_wait3A = tpu.memref_slice %arg4[%add3A_74] : memref<320000xi32, #tpu.memory_space<hbm>> -> memref<80xi32, #tpu.memory_space<hbm>>
        %dma_wait3A_77 = tpu.memref_slice %arg4[%add3A_74] : memref<320000xi32, #tpu.memory_space<hbm>> -> memref<80xi32, #tpu.memory_space<hbm>>
        tpu.wait_dma2 semaphore(%run_scoped3A : memref<!tpu.dma_semaphore, #tpu.memory_space<semaphore_mem>>) src(%dma_wait3A_77 : memref<80xi32, #tpu.memory_space<hbm>>) dst(%arg8 : memref<80xi32, #tpu.memory_space<vmem>>)
        tpu.yield
      }) : () -> ()
      "tpu.region"() ({
        %run_scoped3A = tpu.sem_alloc : memref<!tpu.dma_semaphore, #tpu.memory_space<semaphore_mem>>
        %dma_start3A = arith.constant 0 : i32
        %dma_start3A_76 = tpu.memref_slice %arg13[%dma_start3A] : memref<10240xf32, #tpu.memory_space<vmem_shared>> -> memref<10240xf32, #tpu.memory_space<vmem_shared>>
        tpu.enqueue_indirect_dma source(%arg9 : memref<80xf32, #tpu.memory_space<vmem>>) target(%dma_start3A_76 : memref<10240xf32, #tpu.memory_space<vmem_shared>>) offsets(%arg8 : memref<80xi32, #tpu.memory_space<vmem>>) semaphore(%run_scoped3A : memref<!tpu.dma_semaphore, #tpu.memory_space<semaphore_mem>>) {add = true}
        %dma_wait3A = arith.constant 0 : i32
        %dma_wait3A_77 = tpu.memref_slice %arg13[%dma_wait3A] : memref<10240xf32, #tpu.memory_space<vmem_shared>> -> memref<10240xf32, #tpu.memory_space<vmem_shared>>
        tpu.wait_indirect_dma semaphore(%run_scoped3A : memref<!tpu.dma_semaphore, #tpu.memory_space<semaphore_mem>>) src(%arg9 : memref<80xf32, #tpu.memory_space<vmem>>) dst(%dma_wait3A_77 : memref<10240xf32, #tpu.memory_space<vmem_shared>>)
        tpu.yield
      }) : () -> ()
      %scan3A_75 = arith.constant 0 : i32
      scf.yield %scan3A_75 : i32
    }
    %scan3A_27 = arith.constant 125 : i32
    %barrier3A_28 = arith.constant 0 : index
    tpu.barrier barrier_id(%barrier3A_28)
    %mul3A_29 = arith.constant 640 : i32
    %mul3A_30 = arith.muli %arg1, %mul3A_29 : i32
    "tpu.region"() ({
      %run_scoped3A = tpu.sem_alloc : memref<!tpu.dma_semaphore, #tpu.memory_space<semaphore_mem>>
      %dma_start3A = tpu.memref_slice %arg13[%mul3A_30] : memref<10240xf32, #tpu.memory_space<vmem_shared>> -> memref<640xf32, #tpu.memory_space<vmem_shared>>
      %dma_start3A_70 = tpu.memref_slice %arg13[%mul3A_30] : memref<10240xf32, #tpu.memory_space<vmem_shared>> -> memref<640xf32, #tpu.memory_space<vmem_shared>>
      tpu.enqueue_dma source(%dma_start3A_70 : memref<640xf32, #tpu.memory_space<vmem_shared>>) target(%arg10 : memref<640xf32, #tpu.memory_space<vmem>>) target_semaphore(%run_scoped3A : memref<!tpu.dma_semaphore, #tpu.memory_space<semaphore_mem>>)
      %dma_wait3A = tpu.memref_slice %arg13[%mul3A_30] : memref<10240xf32, #tpu.memory_space<vmem_shared>> -> memref<640xf32, #tpu.memory_space<vmem_shared>>
      %dma_wait3A_71 = tpu.memref_slice %arg13[%mul3A_30] : memref<10240xf32, #tpu.memory_space<vmem_shared>> -> memref<640xf32, #tpu.memory_space<vmem_shared>>
      tpu.wait_dma2 semaphore(%run_scoped3A : memref<!tpu.dma_semaphore, #tpu.memory_space<semaphore_mem>>) src(%dma_wait3A_71 : memref<640xf32, #tpu.memory_space<vmem_shared>>) dst(%arg10 : memref<640xf32, #tpu.memory_space<vmem>>)
      tpu.yield
    }) : () -> ()
    %eq3A = arith.constant 0 : i32
    %eq3A_31 = arith.cmpi eq, %arg0, %eq3A : i32
    %convert_element_type3A = arith.extui %eq3A_31 : i1 to i32
    %cond3A = arith.constant 0 : i32
    %cond3A_32 = arith.cmpi ne, %convert_element_type3A, %cond3A : i32
    scf.if %cond3A_32 {
      %mul3A_70 = arith.constant 640 : i32
      %mul3A_71 = arith.muli %arg1, %mul3A_70 : i32
      "tpu.region"() ({
        %run_scoped3A = tpu.sem_alloc : memref<!tpu.dma_semaphore, #tpu.memory_space<semaphore_mem>>
        %dma_start3A = tpu.memref_slice %arg6[%mul3A_71] : memref<10240xf32, #tpu.memory_space<hbm>> -> memref<640xf32, #tpu.memory_space<hbm>>
        %dma_start3A_72 = tpu.memref_slice %arg6[%mul3A_71] : memref<10240xf32, #tpu.memory_space<hbm>> -> memref<640xf32, #tpu.memory_space<hbm>>
        tpu.enqueue_dma source(%arg10 : memref<640xf32, #tpu.memory_space<vmem>>) target(%dma_start3A_72 : memref<640xf32, #tpu.memory_space<hbm>>) target_semaphore(%run_scoped3A : memref<!tpu.dma_semaphore, #tpu.memory_space<semaphore_mem>>)
        %dma_wait3A = tpu.memref_slice %arg6[%mul3A_71] : memref<10240xf32, #tpu.memory_space<hbm>> -> memref<640xf32, #tpu.memory_space<hbm>>
        %dma_wait3A_73 = tpu.memref_slice %arg6[%mul3A_71] : memref<10240xf32, #tpu.memory_space<hbm>> -> memref<640xf32, #tpu.memory_space<hbm>>
        tpu.wait_dma2 semaphore(%run_scoped3A : memref<!tpu.dma_semaphore, #tpu.memory_space<semaphore_mem>>) src(%arg10 : memref<640xf32, #tpu.memory_space<vmem>>) dst(%dma_wait3A_73 : memref<640xf32, #tpu.memory_space<hbm>>)
        tpu.yield
      }) : () -> ()
    } else {
    }
    %eq3A_33 = arith.constant 1 : i32
    %eq3A_34 = arith.cmpi eq, %arg0, %eq3A_33 : i32
    %convert_element_type3A_35 = arith.extui %eq3A_34 : i1 to i32
    %cond3A_36 = arith.constant 0 : i32
    %cond3A_37 = arith.cmpi ne, %convert_element_type3A_35, %cond3A_36 : i32
    scf.if %cond3A_37 {
      %mul3A_70 = arith.constant 640 : i32
      %mul3A_71 = arith.muli %arg1, %mul3A_70 : i32
      "tpu.region"() ({
        %run_scoped3A = tpu.sem_alloc : memref<!tpu.dma_semaphore, #tpu.memory_space<semaphore_mem>>
        %dma_start3A = tpu.memref_slice %arg7[%mul3A_71] : memref<10240xf32, #tpu.memory_space<hbm>> -> memref<640xf32, #tpu.memory_space<hbm>>
        %dma_start3A_72 = tpu.memref_slice %arg7[%mul3A_71] : memref<10240xf32, #tpu.memory_space<hbm>> -> memref<640xf32, #tpu.memory_space<hbm>>
        tpu.enqueue_dma source(%arg10 : memref<640xf32, #tpu.memory_space<vmem>>) target(%dma_start3A_72 : memref<640xf32, #tpu.memory_space<hbm>>) target_semaphore(%run_scoped3A : memref<!tpu.dma_semaphore, #tpu.memory_space<semaphore_mem>>)
        %dma_wait3A = tpu.memref_slice %arg7[%mul3A_71] : memref<10240xf32, #tpu.memory_space<hbm>> -> memref<640xf32, #tpu.memory_space<hbm>>
        %dma_wait3A_73 = tpu.memref_slice %arg7[%mul3A_71] : memref<10240xf32, #tpu.memory_space<hbm>> -> memref<640xf32, #tpu.memory_space<hbm>>
        tpu.wait_dma2 semaphore(%run_scoped3A : memref<!tpu.dma_semaphore, #tpu.memory_space<semaphore_mem>>) src(%arg10 : memref<640xf32, #tpu.memory_space<vmem>>) dst(%dma_wait3A_73 : memref<640xf32, #tpu.memory_space<hbm>>)
        tpu.yield
      }) : () -> ()
    } else {
    }
    %add3A_38 = arith.constant 0 : i32
    %add3A_39 = arith.addi %add3A, %add3A_38 : i32
    %lt3A = arith.constant 125 : i32
    %lt3A_40 = arith.cmpi slt, %add3A_39, %lt3A : i32
    %convert_element_type3A_41 = arith.extui %lt3A_40 : i1 to i32
    %cond3A_42 = arith.constant 0 : i32
    %cond3A_43 = arith.cmpi ne, %convert_element_type3A_41, %cond3A_42 : i32
    scf.if %cond3A_43 {
      %mul3A_70 = arith.constant 80 : i32
      %mul3A_71 = arith.muli %add3A_39, %mul3A_70 : i32
      "tpu.region"() ({
        %run_scoped3A = tpu.sem_alloc : memref<!tpu.dma_semaphore, #tpu.memory_space<semaphore_mem>>
        %dma_start3A_76 = tpu.memref_slice %arg3[%mul3A_71] : memref<10000xi32, #tpu.memory_space<hbm>> -> memref<80xi32, #tpu.memory_space<hbm>>
        %dma_start3A_77 = tpu.memref_slice %arg3[%mul3A_71] : memref<10000xi32, #tpu.memory_space<hbm>> -> memref<80xi32, #tpu.memory_space<hbm>>
        tpu.enqueue_dma source(%dma_start3A_77 : memref<80xi32, #tpu.memory_space<hbm>>) target(%arg11 : memref<80xi32, #tpu.memory_space<vmem>>) target_semaphore(%run_scoped3A : memref<!tpu.dma_semaphore, #tpu.memory_space<semaphore_mem>>)
        %dma_wait3A_78 = tpu.memref_slice %arg3[%mul3A_71] : memref<10000xi32, #tpu.memory_space<hbm>> -> memref<80xi32, #tpu.memory_space<hbm>>
        %dma_wait3A_79 = tpu.memref_slice %arg3[%mul3A_71] : memref<10000xi32, #tpu.memory_space<hbm>> -> memref<80xi32, #tpu.memory_space<hbm>>
        tpu.wait_dma2 semaphore(%run_scoped3A : memref<!tpu.dma_semaphore, #tpu.memory_space<semaphore_mem>>) src(%dma_wait3A_79 : memref<80xi32, #tpu.memory_space<hbm>>) dst(%arg11 : memref<80xi32, #tpu.memory_space<vmem>>)
        tpu.yield
      }) : () -> ()
      %dma_start3A = arith.constant 0 : i32
      %dma_start3A_72 = arith.constant 0 : i32
      %dma_start3A_73 = tpu.memref_slice %arg2[%dma_start3A, %dma_start3A_72] : memref<100000x128xf32, #tpu.memory_space<hbm>> -> memref<100000x128xf32, #tpu.memory_space<hbm>>
      tpu.enqueue_indirect_dma source(%dma_start3A_73 : memref<100000x128xf32, #tpu.memory_space<hbm>>) target(%arg12 : memref<80x128xf32, #tpu.memory_space<vmem>>) offsets(%arg11 : memref<80xi32, #tpu.memory_space<vmem>>) semaphore(%arg14 : memref<!tpu.dma_semaphore, #tpu.memory_space<semaphore_mem>>)
      %dma_wait3A = arith.constant 0 : i32
      %dma_wait3A_74 = arith.constant 0 : i32
      %dma_wait3A_75 = tpu.memref_slice %arg2[%dma_wait3A, %dma_wait3A_74] : memref<100000x128xf32, #tpu.memory_space<hbm>> -> memref<100000x128xf32, #tpu.memory_space<hbm>>
      tpu.wait_indirect_dma semaphore(%arg14 : memref<!tpu.dma_semaphore, #tpu.memory_space<semaphore_mem>>) src(%dma_wait3A_75 : memref<100000x128xf32, #tpu.memory_space<hbm>>) dst(%arg12 : memref<80x128xf32, #tpu.memory_space<vmem>>)
      "tpu.region"() ({
        %run_scoped3A = tpu.sem_alloc : memref<!tpu.dma_semaphore, #tpu.memory_space<semaphore_mem>>
        %dma_start3A_76 = arith.constant 0 : i32
        %dma_start3A_77 = tpu.memref_slice %arg5[%mul3A_71, %dma_start3A_76] : memref<10240x128xf32, #tpu.memory_space<hbm>> -> memref<80x128xf32, #tpu.memory_space<hbm>>
        %dma_start3A_78 = arith.constant 0 : i32
        %dma_start3A_79 = tpu.memref_slice %arg5[%mul3A_71, %dma_start3A_78] : memref<10240x128xf32, #tpu.memory_space<hbm>> -> memref<80x128xf32, #tpu.memory_space<hbm>>
        tpu.enqueue_dma source(%arg12 : memref<80x128xf32, #tpu.memory_space<vmem>>) target(%dma_start3A_79 : memref<80x128xf32, #tpu.memory_space<hbm>>) target_semaphore(%run_scoped3A : memref<!tpu.dma_semaphore, #tpu.memory_space<semaphore_mem>>)
        %dma_wait3A_80 = arith.constant 0 : i32
        %dma_wait3A_81 = tpu.memref_slice %arg5[%mul3A_71, %dma_wait3A_80] : memref<10240x128xf32, #tpu.memory_space<hbm>> -> memref<80x128xf32, #tpu.memory_space<hbm>>
        %dma_wait3A_82 = arith.constant 0 : i32
        %dma_wait3A_83 = tpu.memref_slice %arg5[%mul3A_71, %dma_wait3A_82] : memref<10240x128xf32, #tpu.memory_space<hbm>> -> memref<80x128xf32, #tpu.memory_space<hbm>>
        tpu.wait_dma2 semaphore(%run_scoped3A : memref<!tpu.dma_semaphore, #tpu.memory_space<semaphore_mem>>) src(%arg12 : memref<80x128xf32, #tpu.memory_space<vmem>>) dst(%dma_wait3A_83 : memref<80x128xf32, #tpu.memory_space<hbm>>)
        tpu.yield
      }) : () -> ()
    } else {
    }
    %add3A_44 = arith.constant 32 : i32
    %add3A_45 = arith.addi %add3A, %add3A_44 : i32
    %lt3A_46 = arith.constant 125 : i32
    %lt3A_47 = arith.cmpi slt, %add3A_45, %lt3A_46 : i32
    %convert_element_type3A_48 = arith.extui %lt3A_47 : i1 to i32
    %cond3A_49 = arith.constant 0 : i32
    %cond3A_50 = arith.cmpi ne, %convert_element_type3A_48, %cond3A_49 : i32
    scf.if %cond3A_50 {
      %mul3A_70 = arith.constant 80 : i32
      %mul3A_71 = arith.muli %add3A_45, %mul3A_70 : i32
      "tpu.region"() ({
        %run_scoped3A = tpu.sem_alloc : memref<!tpu.dma_semaphore, #tpu.memory_space<semaphore_mem>>
        %dma_start3A_76 = tpu.memref_slice %arg3[%mul3A_71] : memref<10000xi32, #tpu.memory_space<hbm>> -> memref<80xi32, #tpu.memory_space<hbm>>
        %dma_start3A_77 = tpu.memref_slice %arg3[%mul3A_71] : memref<10000xi32, #tpu.memory_space<hbm>> -> memref<80xi32, #tpu.memory_space<hbm>>
        tpu.enqueue_dma source(%dma_start3A_77 : memref<80xi32, #tpu.memory_space<hbm>>) target(%arg11 : memref<80xi32, #tpu.memory_space<vmem>>) target_semaphore(%run_scoped3A : memref<!tpu.dma_semaphore, #tpu.memory_space<semaphore_mem>>)
        %dma_wait3A_78 = tpu.memref_slice %arg3[%mul3A_71] : memref<10000xi32, #tpu.memory_space<hbm>> -> memref<80xi32, #tpu.memory_space<hbm>>
        %dma_wait3A_79 = tpu.memref_slice %arg3[%mul3A_71] : memref<10000xi32, #tpu.memory_space<hbm>> -> memref<80xi32, #tpu.memory_space<hbm>>
        tpu.wait_dma2 semaphore(%run_scoped3A : memref<!tpu.dma_semaphore, #tpu.memory_space<semaphore_mem>>) src(%dma_wait3A_79 : memref<80xi32, #tpu.memory_space<hbm>>) dst(%arg11 : memref<80xi32, #tpu.memory_space<vmem>>)
        tpu.yield
      }) : () -> ()
      %dma_start3A = arith.constant 0 : i32
      %dma_start3A_72 = arith.constant 0 : i32
      %dma_start3A_73 = tpu.memref_slice %arg2[%dma_start3A, %dma_start3A_72] : memref<100000x128xf32, #tpu.memory_space<hbm>> -> memref<100000x128xf32, #tpu.memory_space<hbm>>
      tpu.enqueue_indirect_dma source(%dma_start3A_73 : memref<100000x128xf32, #tpu.memory_space<hbm>>) target(%arg12 : memref<80x128xf32, #tpu.memory_space<vmem>>) offsets(%arg11 : memref<80xi32, #tpu.memory_space<vmem>>) semaphore(%arg14 : memref<!tpu.dma_semaphore, #tpu.memory_space<semaphore_mem>>)
      %dma_wait3A = arith.constant 0 : i32
      %dma_wait3A_74 = arith.constant 0 : i32
      %dma_wait3A_75 = tpu.memref_slice %arg2[%dma_wait3A, %dma_wait3A_74] : memref<100000x128xf32, #tpu.memory_space<hbm>> -> memref<100000x128xf32, #tpu.memory_space<hbm>>
      tpu.wait_indirect_dma semaphore(%arg14 : memref<!tpu.dma_semaphore, #tpu.memory_space<semaphore_mem>>) src(%dma_wait3A_75 : memref<100000x128xf32, #tpu.memory_space<hbm>>) dst(%arg12 : memref<80x128xf32, #tpu.memory_space<vmem>>)
      "tpu.region"() ({
        %run_scoped3A = tpu.sem_alloc : memref<!tpu.dma_semaphore, #tpu.memory_space<semaphore_mem>>
        %dma_start3A_76 = arith.constant 0 : i32
        %dma_start3A_77 = tpu.memref_slice %arg5[%mul3A_71, %dma_start3A_76] : memref<10240x128xf32, #tpu.memory_space<hbm>> -> memref<80x128xf32, #tpu.memory_space<hbm>>
        %dma_start3A_78 = arith.constant 0 : i32
        %dma_start3A_79 = tpu.memref_slice %arg5[%mul3A_71, %dma_start3A_78] : memref<10240x128xf32, #tpu.memory_space<hbm>> -> memref<80x128xf32, #tpu.memory_space<hbm>>
        tpu.enqueue_dma source(%arg12 : memref<80x128xf32, #tpu.memory_space<vmem>>) target(%dma_start3A_79 : memref<80x128xf32, #tpu.memory_space<hbm>>) target_semaphore(%run_scoped3A : memref<!tpu.dma_semaphore, #tpu.memory_space<semaphore_mem>>)
        %dma_wait3A_80 = arith.constant 0 : i32
        %dma_wait3A_81 = tpu.memref_slice %arg5[%mul3A_71, %dma_wait3A_80] : memref<10240x128xf32, #tpu.memory_space<hbm>> -> memref<80x128xf32, #tpu.memory_space<hbm>>
        %dma_wait3A_82 = arith.constant 0 : i32
        %dma_wait3A_83 = tpu.memref_slice %arg5[%mul3A_71, %dma_wait3A_82] : memref<10240x128xf32, #tpu.memory_space<hbm>> -> memref<80x128xf32, #tpu.memory_space<hbm>>
        tpu.wait_dma2 semaphore(%run_scoped3A : memref<!tpu.dma_semaphore, #tpu.memory_space<semaphore_mem>>) src(%arg12 : memref<80x128xf32, #tpu.memory_space<vmem>>) dst(%dma_wait3A_83 : memref<80x128xf32, #tpu.memory_space<hbm>>)
        tpu.yield
      }) : () -> ()
    } else {
    }
    %add3A_51 = arith.constant 64 : i32
    %add3A_52 = arith.addi %add3A, %add3A_51 : i32
    %lt3A_53 = arith.constant 125 : i32
    %lt3A_54 = arith.cmpi slt, %add3A_52, %lt3A_53 : i32
    %convert_element_type3A_55 = arith.extui %lt3A_54 : i1 to i32
    %cond3A_56 = arith.constant 0 : i32
    %cond3A_57 = arith.cmpi ne, %convert_element_type3A_55, %cond3A_56 : i32
    scf.if %cond3A_57 {
      %mul3A_70 = arith.constant 80 : i32
      %mul3A_71 = arith.muli %add3A_52, %mul3A_70 : i32
      "tpu.region"() ({
        %run_scoped3A = tpu.sem_alloc : memref<!tpu.dma_semaphore, #tpu.memory_space<semaphore_mem>>
        %dma_start3A_76 = tpu.memref_slice %arg3[%mul3A_71] : memref<10000xi32, #tpu.memory_space<hbm>> -> memref<80xi32, #tpu.memory_space<hbm>>
        %dma_start3A_77 = tpu.memref_slice %arg3[%mul3A_71] : memref<10000xi32, #tpu.memory_space<hbm>> -> memref<80xi32, #tpu.memory_space<hbm>>
        tpu.enqueue_dma source(%dma_start3A_77 : memref<80xi32, #tpu.memory_space<hbm>>) target(%arg11 : memref<80xi32, #tpu.memory_space<vmem>>) target_semaphore(%run_scoped3A : memref<!tpu.dma_semaphore, #tpu.memory_space<semaphore_mem>>)
        %dma_wait3A_78 = tpu.memref_slice %arg3[%mul3A_71] : memref<10000xi32, #tpu.memory_space<hbm>> -> memref<80xi32, #tpu.memory_space<hbm>>
        %dma_wait3A_79 = tpu.memref_slice %arg3[%mul3A_71] : memref<10000xi32, #tpu.memory_space<hbm>> -> memref<80xi32, #tpu.memory_space<hbm>>
        tpu.wait_dma2 semaphore(%run_scoped3A : memref<!tpu.dma_semaphore, #tpu.memory_space<semaphore_mem>>) src(%dma_wait3A_79 : memref<80xi32, #tpu.memory_space<hbm>>) dst(%arg11 : memref<80xi32, #tpu.memory_space<vmem>>)
        tpu.yield
      }) : () -> ()
      %dma_start3A = arith.constant 0 : i32
      %dma_start3A_72 = arith.constant 0 : i32
      %dma_start3A_73 = tpu.memref_slice %arg2[%dma_start3A, %dma_start3A_72] : memref<100000x128xf32, #tpu.memory_space<hbm>> -> memref<100000x128xf32, #tpu.memory_space<hbm>>
      tpu.enqueue_indirect_dma source(%dma_start3A_73 : memref<100000x128xf32, #tpu.memory_space<hbm>>) target(%arg12 : memref<80x128xf32, #tpu.memory_space<vmem>>) offsets(%arg11 : memref<80xi32, #tpu.memory_space<vmem>>) semaphore(%arg14 : memref<!tpu.dma_semaphore, #tpu.memory_space<semaphore_mem>>)
      %dma_wait3A = arith.constant 0 : i32
      %dma_wait3A_74 = arith.constant 0 : i32
      %dma_wait3A_75 = tpu.memref_slice %arg2[%dma_wait3A, %dma_wait3A_74] : memref<100000x128xf32, #tpu.memory_space<hbm>> -> memref<100000x128xf32, #tpu.memory_space<hbm>>
      tpu.wait_indirect_dma semaphore(%arg14 : memref<!tpu.dma_semaphore, #tpu.memory_space<semaphore_mem>>) src(%dma_wait3A_75 : memref<100000x128xf32, #tpu.memory_space<hbm>>) dst(%arg12 : memref<80x128xf32, #tpu.memory_space<vmem>>)
      "tpu.region"() ({
        %run_scoped3A = tpu.sem_alloc : memref<!tpu.dma_semaphore, #tpu.memory_space<semaphore_mem>>
        %dma_start3A_76 = arith.constant 0 : i32
        %dma_start3A_77 = tpu.memref_slice %arg5[%mul3A_71, %dma_start3A_76] : memref<10240x128xf32, #tpu.memory_space<hbm>> -> memref<80x128xf32, #tpu.memory_space<hbm>>
        %dma_start3A_78 = arith.constant 0 : i32
        %dma_start3A_79 = tpu.memref_slice %arg5[%mul3A_71, %dma_start3A_78] : memref<10240x128xf32, #tpu.memory_space<hbm>> -> memref<80x128xf32, #tpu.memory_space<hbm>>
        tpu.enqueue_dma source(%arg12 : memref<80x128xf32, #tpu.memory_space<vmem>>) target(%dma_start3A_79 : memref<80x128xf32, #tpu.memory_space<hbm>>) target_semaphore(%run_scoped3A : memref<!tpu.dma_semaphore, #tpu.memory_space<semaphore_mem>>)
        %dma_wait3A_80 = arith.constant 0 : i32
        %dma_wait3A_81 = tpu.memref_slice %arg5[%mul3A_71, %dma_wait3A_80] : memref<10240x128xf32, #tpu.memory_space<hbm>> -> memref<80x128xf32, #tpu.memory_space<hbm>>
        %dma_wait3A_82 = arith.constant 0 : i32
        %dma_wait3A_83 = tpu.memref_slice %arg5[%mul3A_71, %dma_wait3A_82] : memref<10240x128xf32, #tpu.memory_space<hbm>> -> memref<80x128xf32, #tpu.memory_space<hbm>>
        tpu.wait_dma2 semaphore(%run_scoped3A : memref<!tpu.dma_semaphore, #tpu.memory_space<semaphore_mem>>) src(%arg12 : memref<80x128xf32, #tpu.memory_space<vmem>>) dst(%dma_wait3A_83 : memref<80x128xf32, #tpu.memory_space<hbm>>)
        tpu.yield
      }) : () -> ()
    } else {
    }
    %add3A_58 = arith.constant 96 : i32
    %add3A_59 = arith.addi %add3A, %add3A_58 : i32
    %lt3A_60 = arith.constant 125 : i32
    %lt3A_61 = arith.cmpi slt, %add3A_59, %lt3A_60 : i32
    %convert_element_type3A_62 = arith.extui %lt3A_61 : i1 to i32
    %cond3A_63 = arith.constant 0 : i32
    %cond3A_64 = arith.cmpi ne, %convert_element_type3A_62, %cond3A_63 : i32
    scf.if %cond3A_64 {
      %mul3A_70 = arith.constant 80 : i32
      %mul3A_71 = arith.muli %add3A_59, %mul3A_70 : i32
      "tpu.region"() ({
        %run_scoped3A = tpu.sem_alloc : memref<!tpu.dma_semaphore, #tpu.memory_space<semaphore_mem>>
        %dma_start3A_76 = tpu.memref_slice %arg3[%mul3A_71] : memref<10000xi32, #tpu.memory_space<hbm>> -> memref<80xi32, #tpu.memory_space<hbm>>
        %dma_start3A_77 = tpu.memref_slice %arg3[%mul3A_71] : memref<10000xi32, #tpu.memory_space<hbm>> -> memref<80xi32, #tpu.memory_space<hbm>>
        tpu.enqueue_dma source(%dma_start3A_77 : memref<80xi32, #tpu.memory_space<hbm>>) target(%arg11 : memref<80xi32, #tpu.memory_space<vmem>>) target_semaphore(%run_scoped3A : memref<!tpu.dma_semaphore, #tpu.memory_space<semaphore_mem>>)
        %dma_wait3A_78 = tpu.memref_slice %arg3[%mul3A_71] : memref<10000xi32, #tpu.memory_space<hbm>> -> memref<80xi32, #tpu.memory_space<hbm>>
        %dma_wait3A_79 = tpu.memref_slice %arg3[%mul3A_71] : memref<10000xi32, #tpu.memory_space<hbm>> -> memref<80xi32, #tpu.memory_space<hbm>>
        tpu.wait_dma2 semaphore(%run_scoped3A : memref<!tpu.dma_semaphore, #tpu.memory_space<semaphore_mem>>) src(%dma_wait3A_79 : memref<80xi32, #tpu.memory_space<hbm>>) dst(%arg11 : memref<80xi32, #tpu.memory_space<vmem>>)
        tpu.yield
      }) : () -> ()
      %dma_start3A = arith.constant 0 : i32
      %dma_start3A_72 = arith.constant 0 : i32
      %dma_start3A_73 = tpu.memref_slice %arg2[%dma_start3A, %dma_start3A_72] : memref<100000x128xf32, #tpu.memory_space<hbm>> -> memref<100000x128xf32, #tpu.memory_space<hbm>>
      tpu.enqueue_indirect_dma source(%dma_start3A_73 : memref<100000x128xf32, #tpu.memory_space<hbm>>) target(%arg12 : memref<80x128xf32, #tpu.memory_space<vmem>>) offsets(%arg11 : memref<80xi32, #tpu.memory_space<vmem>>) semaphore(%arg14 : memref<!tpu.dma_semaphore, #tpu.memory_space<semaphore_mem>>)
      %dma_wait3A = arith.constant 0 : i32
      %dma_wait3A_74 = arith.constant 0 : i32
      %dma_wait3A_75 = tpu.memref_slice %arg2[%dma_wait3A, %dma_wait3A_74] : memref<100000x128xf32, #tpu.memory_space<hbm>> -> memref<100000x128xf32, #tpu.memory_space<hbm>>
      tpu.wait_indirect_dma semaphore(%arg14 : memref<!tpu.dma_semaphore, #tpu.memory_space<semaphore_mem>>) src(%dma_wait3A_75 : memref<100000x128xf32, #tpu.memory_space<hbm>>) dst(%arg12 : memref<80x128xf32, #tpu.memory_space<vmem>>)
      "tpu.region"() ({
        %run_scoped3A = tpu.sem_alloc : memref<!tpu.dma_semaphore, #tpu.memory_space<semaphore_mem>>
        %dma_start3A_76 = arith.constant 0 : i32
        %dma_start3A_77 = tpu.memref_slice %arg5[%mul3A_71, %dma_start3A_76] : memref<10240x128xf32, #tpu.memory_space<hbm>> -> memref<80x128xf32, #tpu.memory_space<hbm>>
        %dma_start3A_78 = arith.constant 0 : i32
        %dma_start3A_79 = tpu.memref_slice %arg5[%mul3A_71, %dma_start3A_78] : memref<10240x128xf32, #tpu.memory_space<hbm>> -> memref<80x128xf32, #tpu.memory_space<hbm>>
        tpu.enqueue_dma source(%arg12 : memref<80x128xf32, #tpu.memory_space<vmem>>) target(%dma_start3A_79 : memref<80x128xf32, #tpu.memory_space<hbm>>) target_semaphore(%run_scoped3A : memref<!tpu.dma_semaphore, #tpu.memory_space<semaphore_mem>>)
        %dma_wait3A_80 = arith.constant 0 : i32
        %dma_wait3A_81 = tpu.memref_slice %arg5[%mul3A_71, %dma_wait3A_80] : memref<10240x128xf32, #tpu.memory_space<hbm>> -> memref<80x128xf32, #tpu.memory_space<hbm>>
        %dma_wait3A_82 = arith.constant 0 : i32
        %dma_wait3A_83 = tpu.memref_slice %arg5[%mul3A_71, %dma_wait3A_82] : memref<10240x128xf32, #tpu.memory_space<hbm>> -> memref<80x128xf32, #tpu.memory_space<hbm>>
        tpu.wait_dma2 semaphore(%run_scoped3A : memref<!tpu.dma_semaphore, #tpu.memory_space<semaphore_mem>>) src(%arg12 : memref<80x128xf32, #tpu.memory_space<vmem>>) dst(%dma_wait3A_83 : memref<80x128xf32, #tpu.memory_space<hbm>>)
        tpu.yield
      }) : () -> ()
    } else {
    }
    %lt3A_65 = arith.constant 3 : i32
    %lt3A_66 = arith.cmpi slt, %add3A, %lt3A_65 : i32
    %convert_element_type3A_67 = arith.extui %lt3A_66 : i1 to i32
    %cond3A_68 = arith.constant 0 : i32
    %cond3A_69 = arith.cmpi ne, %convert_element_type3A_67, %cond3A_68 : i32
    scf.if %cond3A_69 {
      %scan3A_70 = arith.constant 0 : i32
      %scan3A_71 = arith.constant 0 : i32
      %scan3A_72 = arith.constant 80 : i32
      %scan3A_73 = arith.addi %scan3A_71, %scan3A_72 : i32
      %scan3A_74 = arith.constant 1 : i32
      %scan3A_75 = scf.for %scan3A_81 = %scan3A_71 to %scan3A_73 step %scan3A_74 iter_args(%scan3A_82 = %scan3A_70) -> (i32)  : i32 {
        %broadcast_in_dim3A = arith.constant 0.000000e+00 : f32
        %broadcast_in_dim3A_83 = vector.broadcast %broadcast_in_dim3A : f32 to vector<16xf32>
        %swap3A = arith.index_cast %scan3A_81 : i32 to index
        %swap3A_84 = arith.constant 0 : index
        %swap3A_85 = tpu.vector_load %arg12[%swap3A, %swap3A_84] {strides = array<i32>} : memref<80x128xf32, #tpu.memory_space<vmem>>, vector<1x16xf32>,
        %swap3A_86 = vector.shape_cast %swap3A_85 : vector<1x16xf32> to vector<16xf32>
        %swap3A_87 = vector.shape_cast %broadcast_in_dim3A_83 : vector<16xf32> to vector<1x16xf32>
        tpu.vector_store %arg12[%swap3A, %swap3A_84], %swap3A_87 {strides = array<i32>} : memref<80x128xf32, #tpu.memory_space<vmem>>, vector<1x16xf32>,
        %broadcast_in_dim3A_88 = arith.constant 0.000000e+00 : f32
        %broadcast_in_dim3A_89 = vector.broadcast %broadcast_in_dim3A_88 : f32 to vector<16xf32>
        %swap3A_90 = arith.index_cast %scan3A_81 : i32 to index
        %swap3A_91 = arith.constant 16 : index
        %swap3A_92 = tpu.vector_load %arg12[%swap3A_90, %swap3A_91] {strides = array<i32>} : memref<80x128xf32, #tpu.memory_space<vmem>>, vector<1x16xf32>,
        %swap3A_93 = vector.shape_cast %swap3A_92 : vector<1x16xf32> to vector<16xf32>
        %swap3A_94 = vector.shape_cast %broadcast_in_dim3A_89 : vector<16xf32> to vector<1x16xf32>
        tpu.vector_store %arg12[%swap3A_90, %swap3A_91], %swap3A_94 {strides = array<i32>} : memref<80x128xf32, #tpu.memory_space<vmem>>, vector<1x16xf32>,
        %broadcast_in_dim3A_95 = arith.constant 0.000000e+00 : f32
        %broadcast_in_dim3A_96 = vector.broadcast %broadcast_in_dim3A_95 : f32 to vector<16xf32>
        %swap3A_97 = arith.index_cast %scan3A_81 : i32 to index
        %swap3A_98 = arith.constant 32 : index
        %swap3A_99 = tpu.vector_load %arg12[%swap3A_97, %swap3A_98] {strides = array<i32>} : memref<80x128xf32, #tpu.memory_space<vmem>>, vector<1x16xf32>,
        %swap3A_100 = vector.shape_cast %swap3A_99 : vector<1x16xf32> to vector<16xf32>
        %swap3A_101 = vector.shape_cast %broadcast_in_dim3A_96 : vector<16xf32> to vector<1x16xf32>
        tpu.vector_store %arg12[%swap3A_97, %swap3A_98], %swap3A_101 {strides = array<i32>} : memref<80x128xf32, #tpu.memory_space<vmem>>, vector<1x16xf32>,
        %broadcast_in_dim3A_102 = arith.constant 0.000000e+00 : f32
        %broadcast_in_dim3A_103 = vector.broadcast %broadcast_in_dim3A_102 : f32 to vector<16xf32>
        %swap3A_104 = arith.index_cast %scan3A_81 : i32 to index
        %swap3A_105 = arith.constant 48 : index
        %swap3A_106 = tpu.vector_load %arg12[%swap3A_104, %swap3A_105] {strides = array<i32>} : memref<80x128xf32, #tpu.memory_space<vmem>>, vector<1x16xf32>,
        %swap3A_107 = vector.shape_cast %swap3A_106 : vector<1x16xf32> to vector<16xf32>
        %swap3A_108 = vector.shape_cast %broadcast_in_dim3A_103 : vector<16xf32> to vector<1x16xf32>
        tpu.vector_store %arg12[%swap3A_104, %swap3A_105], %swap3A_108 {strides = array<i32>} : memref<80x128xf32, #tpu.memory_space<vmem>>, vector<1x16xf32>,
        %broadcast_in_dim3A_109 = arith.constant 0.000000e+00 : f32
        %broadcast_in_dim3A_110 = vector.broadcast %broadcast_in_dim3A_109 : f32 to vector<16xf32>
        %swap3A_111 = arith.index_cast %scan3A_81 : i32 to index
        %swap3A_112 = arith.constant 64 : index
        %swap3A_113 = tpu.vector_load %arg12[%swap3A_111, %swap3A_112] {strides = array<i32>} : memref<80x128xf32, #tpu.memory_space<vmem>>, vector<1x16xf32>,
        %swap3A_114 = vector.shape_cast %swap3A_113 : vector<1x16xf32> to vector<16xf32>
        %swap3A_115 = vector.shape_cast %broadcast_in_dim3A_110 : vector<16xf32> to vector<1x16xf32>
        tpu.vector_store %arg12[%swap3A_111, %swap3A_112], %swap3A_115 {strides = array<i32>} : memref<80x128xf32, #tpu.memory_space<vmem>>, vector<1x16xf32>,
        %broadcast_in_dim3A_116 = arith.constant 0.000000e+00 : f32
        %broadcast_in_dim3A_117 = vector.broadcast %broadcast_in_dim3A_116 : f32 to vector<16xf32>
        %swap3A_118 = arith.index_cast %scan3A_81 : i32 to index
        %swap3A_119 = arith.constant 80 : index
        %swap3A_120 = tpu.vector_load %arg12[%swap3A_118, %swap3A_119] {strides = array<i32>} : memref<80x128xf32, #tpu.memory_space<vmem>>, vector<1x16xf32>,
        %swap3A_121 = vector.shape_cast %swap3A_120 : vector<1x16xf32> to vector<16xf32>
        %swap3A_122 = vector.shape_cast %broadcast_in_dim3A_117 : vector<16xf32> to vector<1x16xf32>
        tpu.vector_store %arg12[%swap3A_118, %swap3A_119], %swap3A_122 {strides = array<i32>} : memref<80x128xf32, #tpu.memory_space<vmem>>, vector<1x16xf32>,
        %broadcast_in_dim3A_123 = arith.constant 0.000000e+00 : f32
        %broadcast_in_dim3A_124 = vector.broadcast %broadcast_in_dim3A_123 : f32 to vector<16xf32>
        %swap3A_125 = arith.index_cast %scan3A_81 : i32 to index
        %swap3A_126 = arith.constant 96 : index
        %swap3A_127 = tpu.vector_load %arg12[%swap3A_125, %swap3A_126] {strides = array<i32>} : memref<80x128xf32, #tpu.memory_space<vmem>>, vector<1x16xf32>,
        %swap3A_128 = vector.shape_cast %swap3A_127 : vector<1x16xf32> to vector<16xf32>
        %swap3A_129 = vector.shape_cast %broadcast_in_dim3A_124 : vector<16xf32> to vector<1x16xf32>
        tpu.vector_store %arg12[%swap3A_125, %swap3A_126], %swap3A_129 {strides = array<i32>} : memref<80x128xf32, #tpu.memory_space<vmem>>, vector<1x16xf32>,
        %broadcast_in_dim3A_130 = arith.constant 0.000000e+00 : f32
        %broadcast_in_dim3A_131 = vector.broadcast %broadcast_in_dim3A_130 : f32 to vector<16xf32>
        %swap3A_132 = arith.index_cast %scan3A_81 : i32 to index
        %swap3A_133 = arith.constant 112 : index
        %swap3A_134 = tpu.vector_load %arg12[%swap3A_132, %swap3A_133] {strides = array<i32>} : memref<80x128xf32, #tpu.memory_space<vmem>>, vector<1x16xf32>,
        %swap3A_135 = vector.shape_cast %swap3A_134 : vector<1x16xf32> to vector<16xf32>
        %swap3A_136 = vector.shape_cast %broadcast_in_dim3A_131 : vector<16xf32> to vector<1x16xf32>
        tpu.vector_store %arg12[%swap3A_132, %swap3A_133], %swap3A_136 {strides = array<i32>} : memref<80x128xf32, #tpu.memory_space<vmem>>, vector<1x16xf32>,
        %scan3A_137 = arith.constant 0 : i32
        scf.yield %scan3A_137 : i32
      }
      %scan3A_76 = arith.constant 80 : i32
      %mul3A_77 = arith.constant 80 : i32
      %mul3A_78 = arith.muli %add3A, %mul3A_77 : i32
      %add3A_79 = arith.constant 10000 : i32
      %add3A_80 = arith.addi %add3A_79, %mul3A_78 : i32
      "tpu.region"() ({
        %run_scoped3A = tpu.sem_alloc : memref<!tpu.dma_semaphore, #tpu.memory_space<semaphore_mem>>
        %dma_start3A = arith.constant 0 : i32
        %dma_start3A_81 = tpu.memref_slice %arg5[%add3A_80, %dma_start3A] : memref<10240x128xf32, #tpu.memory_space<hbm>> -> memref<80x128xf32, #tpu.memory_space<hbm>>
        %dma_start3A_82 = arith.constant 0 : i32
        %dma_start3A_83 = tpu.memref_slice %arg5[%add3A_80, %dma_start3A_82] : memref<10240x128xf32, #tpu.memory_space<hbm>> -> memref<80x128xf32, #tpu.memory_space<hbm>>
        tpu.enqueue_dma source(%arg12 : memref<80x128xf32, #tpu.memory_space<vmem>>) target(%dma_start3A_83 : memref<80x128xf32, #tpu.memory_space<hbm>>) target_semaphore(%run_scoped3A : memref<!tpu.dma_semaphore, #tpu.memory_space<semaphore_mem>>)
        %dma_wait3A = arith.constant 0 : i32
        %dma_wait3A_84 = tpu.memref_slice %arg5[%add3A_80, %dma_wait3A] : memref<10240x128xf32, #tpu.memory_space<hbm>> -> memref<80x128xf32, #tpu.memory_space<hbm>>
        %dma_wait3A_85 = arith.constant 0 : i32
        %dma_wait3A_86 = tpu.memref_slice %arg5[%add3A_80, %dma_wait3A_85] : memref<10240x128xf32, #tpu.memory_space<hbm>> -> memref<80x128xf32, #tpu.memory_space<hbm>>
        tpu.wait_dma2 semaphore(%run_scoped3A : memref<!tpu.dma_semaphore, #tpu.memory_space<semaphore_mem>>) src(%arg12 : memref<80x128xf32, #tpu.memory_space<vmem>>) dst(%dma_wait3A_86 : memref<80x128xf32, #tpu.memory_space<hbm>>)
        tpu.yield
      }) : () -> ()
    } else {
    }
    return
  }
}

module attributes {stable_mosaic.version = 14 : i64} {
  func.func @_prep_body(%arg0: i32, %arg1: memref<1024x1xf32, #tpu.memory_space<vmem>>, %arg2: memref<1024x1xf32, #tpu.memory_space<vmem>>, %arg3: memref<1024x128xf32, #tpu.memory_space<vmem>>, %arg4: memref<1024x1xf32, #tpu.memory_space<vmem>>, %arg5: memref<1024x128xf32, #tpu.memory_space<vmem>>) attributes {dimension_semantics = [#tpu.dimension_semantics<arbitrary>], iteration_bounds = array<i64: 10>, scalar_prefetch = 0 : i64, scratch_operands = 0 : i64, tpu.core_type = #tpu.core_type<tc>, window_params = [{transform_indices = @transform_0, window_bounds = array<i64: 1024, 1>}, {transform_indices = @transform_1, window_bounds = array<i64: 1024, 1>}, {transform_indices = @transform_2, window_bounds = array<i64: 1024, 128>}, {transform_indices = @transform_3, window_bounds = array<i64: 1024, 1>}, {transform_indices = @transform_4, window_bounds = array<i64: 1024, 128>}]} {
    %get3A = arith.constant 0 : index
    %get3A_0 = arith.constant 0 : index
    %get3A_1 = vector.load %arg1[%get3A, %get3A_0] : memref<1024x1xf32, #tpu.memory_space<vmem>>, vector<1024x1xf32>
    %get3A_2 = arith.constant 0 : index
    %get3A_3 = arith.constant 0 : index
    %get3A_4 = vector.load %arg2[%get3A_2, %get3A_3] : memref<1024x1xf32, #tpu.memory_space<vmem>>, vector<1024x1xf32>
    %add3A = arith.addf %get3A_1, %get3A_4 : vector<1024x1xf32>
    %add3A_5 = arith.constant 1.000000e+00 : f32
    %add3A_6 = vector.broadcast %add3A_5 : f32 to vector<1024x1xf32>
    %add3A_7 = arith.addf %add3A, %add3A_6 : vector<1024x1xf32>
    %rsqrt3A = math.rsqrt %add3A_7 : vector<1024x1xf32>
    %swap3A = arith.constant 0 : index
    %swap3A_8 = arith.constant 0 : index
    %swap3A_9 = vector.load %arg4[%swap3A, %swap3A_8] : memref<1024x1xf32, #tpu.memory_space<vmem>>, vector<1024x1xf32>
    tpu.vector_store %arg4[%swap3A, %swap3A_8], %rsqrt3A {strides = array<i32>} : memref<1024x1xf32, #tpu.memory_space<vmem>>, vector<1024x1xf32>,
    %get3A_10 = arith.constant 0 : index
    %get3A_11 = arith.constant 0 : index
    %get3A_12 = vector.load %arg3[%get3A_10, %get3A_11] : memref<1024x128xf32, #tpu.memory_space<vmem>>, vector<1024x128xf32>
    %mul3A = vector.broadcast %rsqrt3A : vector<1024x1xf32> to vector<1024x128xf32>
    %mul3A_13 = arith.mulf %get3A_12, %mul3A : vector<1024x128xf32>
    %swap3A_14 = arith.constant 0 : index
    %swap3A_15 = arith.constant 0 : index
    %swap3A_16 = vector.load %arg5[%swap3A_14, %swap3A_15] : memref<1024x128xf32, #tpu.memory_space<vmem>>, vector<1024x128xf32>
    tpu.vector_store %arg5[%swap3A_14, %swap3A_15], %mul3A_13 {strides = array<i32>} : memref<1024x128xf32, #tpu.memory_space<vmem>>, vector<1024x128xf32>,
    return
  }
  func.func @transform_0(%arg0: i32) -> (i32, i32) {
    %c0_i32 = arith.constant 0 : i32
    %c0_i32_0 = arith.constant 0 : i32
    return %arg0, %c0_i32 : i32, i32
  }
  func.func @transform_1(%arg0: i32) -> (i32, i32) {
    %c0_i32 = arith.constant 0 : i32
    %c0_i32_0 = arith.constant 0 : i32
    return %arg0, %c0_i32 : i32, i32
  }
  func.func @transform_2(%arg0: i32) -> (i32, i32) {
    %c0_i32 = arith.constant 0 : i32
    %c0_i32_0 = arith.constant 0 : i32
    return %arg0, %c0_i32 : i32, i32
  }
  func.func @transform_3(%arg0: i32) -> (i32, i32) {
    %c0_i32 = arith.constant 0 : i32
    %c0_i32_0 = arith.constant 0 : i32
    return %arg0, %c0_i32 : i32, i32
  }
  func.func @transform_4(%arg0: i32) -> (i32, i32) {
    %c0_i32 = arith.constant 0 : i32
    %c0_i32_0 = arith.constant 0 : i32
    return %arg0, %c0_i32 : i32, i32
  }
}

module attributes {stable_mosaic.version = 14 : i64} {
  func.func @_layer_body(%arg0: i32, %arg1: memref<1024x128xf32, #tpu.memory_space<vmem>>, %arg2: memref<1024x128xf32, #tpu.memory_space<vmem>>, %arg3: memref<1024x128xf32, #tpu.memory_space<vmem>>, %arg4: memref<1024x1xf32, #tpu.memory_space<vmem>>, %arg5: memref<128x128xf32, #tpu.memory_space<vmem>>, %arg6: memref<1024x128xf32, #tpu.memory_space<vmem>>) attributes {dimension_semantics = [#tpu.dimension_semantics<arbitrary>], iteration_bounds = array<i64: 10>, scalar_prefetch = 0 : i64, scratch_operands = 0 : i64, tpu.core_type = #tpu.core_type<tc>, window_params = [{transform_indices = @transform_0, window_bounds = array<i64: 1024, 128>}, {transform_indices = @transform_1, window_bounds = array<i64: 1024, 128>}, {transform_indices = @transform_2, window_bounds = array<i64: 1024, 128>}, {transform_indices = @transform_3, window_bounds = array<i64: 1024, 1>}, {pipeline_mode = #tpu.pipeline_mode<synchronous>, transform_indices = @transform_4, window_bounds = array<i64: 128, 128>}, {transform_indices = @transform_5, window_bounds = array<i64: 1024, 128>}]} {
    %get3A = arith.constant 0 : index
    %get3A_0 = arith.constant 0 : index
    %get3A_1 = vector.load %arg1[%get3A, %get3A_0] : memref<1024x128xf32, #tpu.memory_space<vmem>>, vector<1024x128xf32>
    %get3A_2 = arith.constant 0 : index
    %get3A_3 = arith.constant 0 : index
    %get3A_4 = vector.load %arg2[%get3A_2, %get3A_3] : memref<1024x128xf32, #tpu.memory_space<vmem>>, vector<1024x128xf32>
    %add3A = arith.addf %get3A_1, %get3A_4 : vector<1024x128xf32>
    %get3A_5 = arith.constant 0 : index
    %get3A_6 = arith.constant 0 : index
    %get3A_7 = vector.load %arg3[%get3A_5, %get3A_6] : memref<1024x128xf32, #tpu.memory_space<vmem>>, vector<1024x128xf32>
    %sub3A = arith.subf %add3A, %get3A_7 : vector<1024x128xf32>
    %get3A_8 = arith.constant 0 : index
    %get3A_9 = arith.constant 0 : index
    %get3A_10 = vector.load %arg4[%get3A_8, %get3A_9] : memref<1024x1xf32, #tpu.memory_space<vmem>>, vector<1024x1xf32>
    %mul3A = vector.broadcast %get3A_10 : vector<1024x1xf32> to vector<1024x128xf32>
    %mul3A_11 = arith.mulf %sub3A, %mul3A : vector<1024x128xf32>
    %get3A_12 = arith.constant 0 : index
    %get3A_13 = arith.constant 0 : index
    %get3A_14 = vector.load %arg5[%get3A_12, %get3A_13] : memref<128x128xf32, #tpu.memory_space<vmem>>, vector<128x128xf32>
    %dot_general3A = arith.constant dense<0.000000e+00> : vector<1024x128xf32>
    %dot_general3A_15 = tpu.matmul %mul3A_11, %get3A_14, %dot_general3A {dimension_numbers = #tpu.dot_dimension_numbers<[1], [0], [0], [1], [0, 0, 1, 1], [], []>, transpose_lhs_hint = false} : vector<1024x128xf32>, vector<128x128xf32>, vector<1024x128xf32> -> vector<1024x128xf32>
    %max3A = arith.constant 0.000000e+00 : f32
    %max3A_16 = vector.broadcast %max3A : f32 to vector<1024x128xf32>
    %max3A_17 = arith.maximumf %dot_general3A_15, %max3A_16 : vector<1024x128xf32>
    %get3A_18 = arith.constant 0 : index
    %get3A_19 = arith.constant 0 : index
    %get3A_20 = vector.load %arg4[%get3A_18, %get3A_19] : memref<1024x1xf32, #tpu.memory_space<vmem>>, vector<1024x1xf32>
    %mul3A_21 = vector.broadcast %get3A_20 : vector<1024x1xf32> to vector<1024x128xf32>
    %mul3A_22 = arith.mulf %max3A_17, %mul3A_21 : vector<1024x128xf32>
    %swap3A = arith.constant 0 : index
    %swap3A_23 = arith.constant 0 : index
    %swap3A_24 = vector.load %arg6[%swap3A, %swap3A_23] : memref<1024x128xf32, #tpu.memory_space<vmem>>, vector<1024x128xf32>
    tpu.vector_store %arg6[%swap3A, %swap3A_23], %mul3A_22 {strides = array<i32>} : memref<1024x128xf32, #tpu.memory_space<vmem>>, vector<1024x128xf32>,
    return
  }
  func.func @transform_0(%arg0: i32) -> (i32, i32) {
    %c0_i32 = arith.constant 0 : i32
    %c0_i32_0 = arith.constant 0 : i32
    return %arg0, %c0_i32 : i32, i32
  }
  func.func @transform_1(%arg0: i32) -> (i32, i32) {
    %c0_i32 = arith.constant 0 : i32
    %c0_i32_0 = arith.constant 0 : i32
    return %arg0, %c0_i32 : i32, i32
  }
  func.func @transform_2(%arg0: i32) -> (i32, i32) {
    %c0_i32 = arith.constant 0 : i32
    %c0_i32_0 = arith.constant 0 : i32
    return %arg0, %c0_i32 : i32, i32
  }
  func.func @transform_3(%arg0: i32) -> (i32, i32) {
    %c0_i32 = arith.constant 0 : i32
    %c0_i32_0 = arith.constant 0 : i32
    return %arg0, %c0_i32 : i32, i32
  }
  func.func @transform_4(%arg0: i32) -> (i32, i32) {
    %c0_i32 = arith.constant 0 : i32
    %c0_i32_0 = arith.constant 0 : i32
    %c0_i32_1 = arith.constant 0 : i32
    return %c0_i32, %c0_i32_0 : i32, i32
  }
  func.func @transform_5(%arg0: i32) -> (i32, i32) {
    %c0_i32 = arith.constant 0 : i32
    %c0_i32_0 = arith.constant 0 : i32
    return %arg0, %c0_i32 : i32, i32
  }
}

module attributes {stable_mosaic.version = 14 : i64} {
  func.func @_layer_body(%arg0: i32, %arg1: memref<1024x128xf32, #tpu.memory_space<vmem>>, %arg2: memref<1024x128xf32, #tpu.memory_space<vmem>>, %arg3: memref<1024x128xf32, #tpu.memory_space<vmem>>, %arg4: memref<1024x1xf32, #tpu.memory_space<vmem>>, %arg5: memref<128x128xf32, #tpu.memory_space<vmem>>, %arg6: memref<1024x128xf32, #tpu.memory_space<vmem>>) attributes {dimension_semantics = [#tpu.dimension_semantics<arbitrary>], iteration_bounds = array<i64: 10>, scalar_prefetch = 0 : i64, scratch_operands = 0 : i64, tpu.core_type = #tpu.core_type<tc>, window_params = [{transform_indices = @transform_0, window_bounds = array<i64: 1024, 128>}, {transform_indices = @transform_1, window_bounds = array<i64: 1024, 128>}, {transform_indices = @transform_2, window_bounds = array<i64: 1024, 128>}, {transform_indices = @transform_3, window_bounds = array<i64: 1024, 1>}, {pipeline_mode = #tpu.pipeline_mode<synchronous>, transform_indices = @transform_4, window_bounds = array<i64: 128, 128>}, {transform_indices = @transform_5, window_bounds = array<i64: 1024, 128>}]} {
    %get3A = arith.constant 0 : index
    %get3A_0 = arith.constant 0 : index
    %get3A_1 = vector.load %arg1[%get3A, %get3A_0] : memref<1024x128xf32, #tpu.memory_space<vmem>>, vector<1024x128xf32>
    %get3A_2 = arith.constant 0 : index
    %get3A_3 = arith.constant 0 : index
    %get3A_4 = vector.load %arg2[%get3A_2, %get3A_3] : memref<1024x128xf32, #tpu.memory_space<vmem>>, vector<1024x128xf32>
    %add3A = arith.addf %get3A_1, %get3A_4 : vector<1024x128xf32>
    %get3A_5 = arith.constant 0 : index
    %get3A_6 = arith.constant 0 : index
    %get3A_7 = vector.load %arg3[%get3A_5, %get3A_6] : memref<1024x128xf32, #tpu.memory_space<vmem>>, vector<1024x128xf32>
    %sub3A = arith.subf %add3A, %get3A_7 : vector<1024x128xf32>
    %get3A_8 = arith.constant 0 : index
    %get3A_9 = arith.constant 0 : index
    %get3A_10 = vector.load %arg4[%get3A_8, %get3A_9] : memref<1024x1xf32, #tpu.memory_space<vmem>>, vector<1024x1xf32>
    %mul3A = vector.broadcast %get3A_10 : vector<1024x1xf32> to vector<1024x128xf32>
    %mul3A_11 = arith.mulf %sub3A, %mul3A : vector<1024x128xf32>
    %get3A_12 = arith.constant 0 : index
    %get3A_13 = arith.constant 0 : index
    %get3A_14 = vector.load %arg5[%get3A_12, %get3A_13] : memref<128x128xf32, #tpu.memory_space<vmem>>, vector<128x128xf32>
    %dot_general3A = arith.constant dense<0.000000e+00> : vector<1024x128xf32>
    %dot_general3A_15 = tpu.matmul %mul3A_11, %get3A_14, %dot_general3A {dimension_numbers = #tpu.dot_dimension_numbers<[1], [0], [0], [1], [0, 0, 1, 1], [], []>, transpose_lhs_hint = false} : vector<1024x128xf32>, vector<128x128xf32>, vector<1024x128xf32> -> vector<1024x128xf32>
    %max3A = arith.constant 0.000000e+00 : f32
    %max3A_16 = vector.broadcast %max3A : f32 to vector<1024x128xf32>
    %max3A_17 = arith.maximumf %dot_general3A_15, %max3A_16 : vector<1024x128xf32>
    %swap3A = arith.constant 0 : index
    %swap3A_18 = arith.constant 0 : index
    %swap3A_19 = vector.load %arg6[%swap3A, %swap3A_18] : memref<1024x128xf32, #tpu.memory_space<vmem>>, vector<1024x128xf32>
    tpu.vector_store %arg6[%swap3A, %swap3A_18], %max3A_17 {strides = array<i32>} : memref<1024x128xf32, #tpu.memory_space<vmem>>, vector<1024x128xf32>,
    return
  }
  func.func @transform_0(%arg0: i32) -> (i32, i32) {
    %c0_i32 = arith.constant 0 : i32
    %c0_i32_0 = arith.constant 0 : i32
    return %arg0, %c0_i32 : i32, i32
  }
  func.func @transform_1(%arg0: i32) -> (i32, i32) {
    %c0_i32 = arith.constant 0 : i32
    %c0_i32_0 = arith.constant 0 : i32
    return %arg0, %c0_i32 : i32, i32
  }
  func.func @transform_2(%arg0: i32) -> (i32, i32) {
    %c0_i32 = arith.constant 0 : i32
    %c0_i32_0 = arith.constant 0 : i32
    return %arg0, %c0_i32 : i32, i32
  }
  func.func @transform_3(%arg0: i32) -> (i32, i32) {
    %c0_i32 = arith.constant 0 : i32
    %c0_i32_0 = arith.constant 0 : i32
    return %arg0, %c0_i32 : i32, i32
  }
  func.func @transform_4(%arg0: i32) -> (i32, i32) {
    %c0_i32 = arith.constant 0 : i32
    %c0_i32_0 = arith.constant 0 : i32
    %c0_i32_1 = arith.constant 0 : i32
    return %c0_i32, %c0_i32_0 : i32, i32
  }
  func.func @transform_5(%arg0: i32) -> (i32, i32) {
    %c0_i32 = arith.constant 0 : i32
    %c0_i32_0 = arith.constant 0 : i32
    return %arg0, %c0_i32 : i32, i32
  }
}

module attributes {stable_mosaic.version = 14 : i64} {
  func.func @_loss_body(%arg0: memref<1024x128xf32, #tpu.memory_space<vmem>>, %arg1: memref<1024x384xf32, #tpu.memory_space<vmem>>, %arg2: memref<1024x10xf32, #tpu.memory_space<vmem>>, %arg3: memref<1024x1xi32, #tpu.memory_space<vmem>>, %arg4: memref<128x10xf32, #tpu.memory_space<vmem>>, %arg5: memref<384x10xf32, #tpu.memory_space<vmem>>, %arg6: memref<1x10xf32, #tpu.memory_space<vmem>>, %arg7: memref<1x1xf32, #tpu.memory_space<vmem>>) attributes {dimension_semantics = [], scalar_prefetch = 0 : i64, scratch_operands = 0 : i64, tpu.core_type = #tpu.core_type<tc>} {
    %get3A = arith.constant 0 : index
    %get3A_0 = arith.constant 0 : index
    %get3A_1 = vector.load %arg0[%get3A, %get3A_0] : memref<1024x128xf32, #tpu.memory_space<vmem>>, vector<1024x128xf32>
    %get3A_2 = arith.constant 0 : index
    %get3A_3 = arith.constant 0 : index
    %get3A_4 = vector.load %arg4[%get3A_2, %get3A_3] : memref<128x10xf32, #tpu.memory_space<vmem>>, vector<128x10xf32>
    %dot_general3A = arith.constant dense<0.000000e+00> : vector<1024x10xf32>
    %dot_general3A_5 = tpu.matmul %get3A_1, %get3A_4, %dot_general3A {dimension_numbers = #tpu.dot_dimension_numbers<[1], [0], [0], [1], [0, 0, 1, 1], [], []>, transpose_lhs_hint = false} : vector<1024x128xf32>, vector<128x10xf32>, vector<1024x10xf32> -> vector<1024x10xf32>
    %get3A_6 = arith.constant 0 : index
    %get3A_7 = arith.constant 0 : index
    %get3A_8 = vector.load %arg1[%get3A_6, %get3A_7] : memref<1024x384xf32, #tpu.memory_space<vmem>>, vector<1024x384xf32>
    %get3A_9 = arith.constant 0 : index
    %get3A_10 = arith.constant 0 : index
    %get3A_11 = vector.load %arg5[%get3A_9, %get3A_10] : memref<384x10xf32, #tpu.memory_space<vmem>>, vector<384x10xf32>
    %dot_general3A_12 = arith.constant dense<0.000000e+00> : vector<1024x10xf32>
    %dot_general3A_13 = tpu.matmul %get3A_8, %get3A_11, %dot_general3A_12 {dimension_numbers = #tpu.dot_dimension_numbers<[1], [0], [0], [1], [0, 0, 1, 1], [], []>, transpose_lhs_hint = false} : vector<1024x384xf32>, vector<384x10xf32>, vector<1024x10xf32> -> vector<1024x10xf32>
    %add3A = arith.addf %dot_general3A_5, %dot_general3A_13 : vector<1024x10xf32>
    %get3A_14 = arith.constant 0 : index
    %get3A_15 = arith.constant 0 : index
    %get3A_16 = vector.load %arg6[%get3A_14, %get3A_15] : memref<1x10xf32, #tpu.memory_space<vmem>>, vector<1x10xf32>
    %add3A_17 = vector.broadcast %get3A_16 : vector<1x10xf32> to vector<1024x10xf32>
    %add3A_18 = arith.addf %add3A, %add3A_17 : vector<1024x10xf32>
    %reduce_max3A = arith.constant dense<0xFF800000> : vector<1024xf32>
    %reduce_max3A_19 = vector.multi_reduction <maximumf>, %add3A_18, %reduce_max3A [1] : vector<1024x10xf32> to vector<1024xf32>
    %broadcast_in_dim3A = vector.shape_cast %reduce_max3A_19 : vector<1024xf32> to vector<1024x1xf32>
    %sub3A = vector.broadcast %broadcast_in_dim3A : vector<1024x1xf32> to vector<1024x10xf32>
    %sub3A_20 = arith.subf %add3A_18, %sub3A : vector<1024x10xf32>
    %exp3A = math.exp %sub3A_20 : vector<1024x10xf32>
    %reduce_sum3A = arith.constant dense<0.000000e+00> : vector<1024xf32>
    %reduce_sum3A_21 = vector.multi_reduction <add>, %exp3A, %reduce_sum3A [1] : vector<1024x10xf32> to vector<1024xf32>
    %broadcast_in_dim3A_22 = vector.shape_cast %reduce_sum3A_21 : vector<1024xf32> to vector<1024x1xf32>
    %log3A = math.log %broadcast_in_dim3A_22 : vector<1024x1xf32>
    %add3A_23 = arith.addf %broadcast_in_dim3A, %log3A : vector<1024x1xf32>
    %sub3A_24 = vector.broadcast %add3A_23 : vector<1024x1xf32> to vector<1024x10xf32>
    %sub3A_25 = arith.subf %add3A_18, %sub3A_24 : vector<1024x10xf32>
    %get3A_26 = arith.constant 0 : index
    %get3A_27 = arith.constant 0 : index
    %get3A_28 = vector.load %arg2[%get3A_26, %get3A_27] : memref<1024x10xf32, #tpu.memory_space<vmem>>, vector<1024x10xf32>
    %reduce_max3A_29 = arith.constant dense<0xFF800000> : vector<1024xf32>
    %reduce_max3A_30 = vector.multi_reduction <maximumf>, %get3A_28, %reduce_max3A_29 [1] : vector<1024x10xf32> to vector<1024xf32>
    %broadcast_in_dim3A_31 = vector.shape_cast %reduce_max3A_30 : vector<1024xf32> to vector<1024x1xf32>
    %sub3A_32 = vector.broadcast %broadcast_in_dim3A_31 : vector<1024x1xf32> to vector<1024x10xf32>
    %sub3A_33 = arith.subf %get3A_28, %sub3A_32 : vector<1024x10xf32>
    %exp3A_34 = math.exp %sub3A_33 : vector<1024x10xf32>
    %reduce_sum3A_35 = arith.constant dense<0.000000e+00> : vector<1024xf32>
    %reduce_sum3A_36 = vector.multi_reduction <add>, %exp3A_34, %reduce_sum3A_35 [1] : vector<1024x10xf32> to vector<1024xf32>
    %broadcast_in_dim3A_37 = vector.shape_cast %reduce_sum3A_36 : vector<1024xf32> to vector<1024x1xf32>
    %div3A = vector.broadcast %broadcast_in_dim3A_37 : vector<1024x1xf32> to vector<1024x10xf32>
    %div3A_38 = arith.divf %exp3A_34, %div3A : vector<1024x10xf32>
    %add3A_39 = arith.constant 9.99999971E-10 : f32
    %add3A_40 = vector.broadcast %add3A_39 : f32 to vector<1024x10xf32>
    %add3A_41 = arith.addf %div3A_38, %add3A_40 : vector<1024x10xf32>
    %log3A_42 = math.log %add3A_41 : vector<1024x10xf32>
    %sub3A_43 = arith.subf %log3A_42, %sub3A_25 : vector<1024x10xf32>
    %mul3A = arith.mulf %div3A_38, %sub3A_43 : vector<1024x10xf32>
    %reduce_sum3A_44 = vector.shape_cast %mul3A : vector<1024x10xf32> to vector<1x1024x10xf32>
    %reduce_sum3A_45 = arith.constant dense<0.000000e+00> : vector<1xf32>
    %reduce_sum3A_46 = vector.multi_reduction <add>, %reduce_sum3A_44, %reduce_sum3A_45 [1, 2] : vector<1x1024x10xf32> to vector<1xf32>
    %reduce_sum3A_47 = vector.shape_cast %reduce_sum3A_46 : vector<1xf32> to vector<1x1x1xf32>
    %reduce_sum3A_48 = vector.extract %reduce_sum3A_47[0, 0, 0] : f32 from vector<1x1x1xf32>
    %div3A_49 = arith.constant 1.024000e+03 : f32
    %div3A_50 = arith.divf %reduce_sum3A_48, %div3A_49 : f32
    %iota3A = tpu.iota {dimensions = array<i32: 1>} : vector<1024x10xi32>
    %get3A_51 = arith.constant 0 : index
    %get3A_52 = arith.constant 0 : index
    %get3A_53 = vector.load %arg3[%get3A_51, %get3A_52] : memref<1024x1xi32, #tpu.memory_space<vmem>>, vector<1024x1xi32>
    %eq3A = vector.broadcast %get3A_53 : vector<1024x1xi32> to vector<1024x10xi32>
    %eq3A_54 = arith.cmpi eq, %iota3A, %eq3A : vector<1024x10xi32>
    %jit3A = arith.constant 0.000000e+00 : f32
    %broadcast_in_dim3A_55 = vector.broadcast %jit3A : f32 to vector<1024x10xf32>
    %select_n3A = arith.select %eq3A_54, %sub3A_25, %broadcast_in_dim3A_55 : vector<1024x10xi1>, vector<1024x10xf32>
    %reduce_sum3A_56 = vector.shape_cast %select_n3A : vector<1024x10xf32> to vector<1x1024x10xf32>
    %reduce_sum3A_57 = arith.constant dense<0.000000e+00> : vector<1xf32>
    %reduce_sum3A_58 = vector.multi_reduction <add>, %reduce_sum3A_56, %reduce_sum3A_57 [1, 2] : vector<1x1024x10xf32> to vector<1xf32>
    %reduce_sum3A_59 = vector.shape_cast %reduce_sum3A_58 : vector<1xf32> to vector<1x1x1xf32>
    %reduce_sum3A_60 = vector.extract %reduce_sum3A_59[0, 0, 0] : f32 from vector<1x1x1xf32>
    %neg3A = arith.constant 0.000000e+00 : f32
    %neg3A_61 = arith.subf %neg3A, %reduce_sum3A_60 : f32
    %div3A_62 = arith.constant 1.024000e+03 : f32
    %div3A_63 = arith.divf %neg3A_61, %div3A_62 : f32
    %mul3A_64 = arith.constant 5.000000e-01 : f32
    %mul3A_65 = arith.mulf %mul3A_64, %div3A_63 : f32
    %add3A_66 = arith.addf %div3A_50, %mul3A_65 : f32
    %reshape3A = vector.broadcast %add3A_66 : f32 to vector<1x1xf32>
    %swap3A = arith.constant 0 : index
    %swap3A_67 = arith.constant 0 : index
    %swap3A_68 = vector.load %arg7[%swap3A, %swap3A_67] : memref<1x1xf32, #tpu.memory_space<vmem>>, vector<1x1xf32>
    tpu.vector_store %arg7[%swap3A, %swap3A_67], %reshape3A {strides = array<i32>} : memref<1x1xf32, #tpu.memory_space<vmem>>, vector<1x1xf32>,
    return
  }
}

</mosaic_0001>

<sc_bundles>
// kernel: kernel.10.cloned.1.call-start
scs
__scs_entry_jumppad:
0x0: {  	(pc) =	sbr.rel $0x88, $3  }
0x1: {  	(tag) =	ssettag $0x0;
	lr =	simm.s32 $0x1  }
0x2: {  	[smem:$0x3F96] =	sst lr;
	_ =	strace $0xD0000000  }
0x3: {  	_ = 	snop  }
0x4: {  	_ = 	snop  }
0x5: {  	_ = 	snop  }
0x6: {  	_ = 	snop  }
0x7: {  	_ = 	snop  }
__scs_overlays_trampoline_lowered:
0x8: {  	[smem:$0x3FA5] =	sst s0  }
0x9: {  	[smem:$0x3FA6] =	sst s1  }
0xa: {  	[smem:$0x3FA7] =	sst s2  }
0xb: {  	[smem:$0x3FA8] =	sst s3  }
0xc: {  	[smem:$0x3FA9] =	sst s4  }
0xd: {  	[smem:$0x3FAA] =	sst s5  }
0xe: {  	[smem:$0x3FAB] =	sst s6  }
0xf: {  	[smem:$0x3FAC] =	sst s7  }
0x10: {  	[smem:$0x3FAD] =	sst s8  }
0x11: {  	[smem:$0x3FAE] =	sst s9;
	s0 =	simm.s32 @!p0 $0x0  }
0x12: {  	s1 =	sld [smem:$0x3F94];
	s0 =	simm.s32 @p0 $0x1  }
0x13: {  	[smem:$0x3FAF] =	sst s0;
	s0 =	simm.s32 @!p1 $0x0  }
0x14: {  	s2 =	sld [smem:$0x3F93];
	s0 =	simm.s32 @p1 $0x1  }
0x15: {  	[smem:$0x3FB0] =	sst s0;
	s0 =	simm.s32 @!p2 $0x0  }
0x16: {  	s3 =	sld [smem:$0x3FDB];
	s0 =	simm.s32 @p2 $0x1  }
0x17: {  	s4 =	simm.s32 $0x1BF5;
	[smem:$0x3FB2] =	sst s0  }
0x18: {  	s0 =	sld [smem:$0x3F95];
	_ =	swait.ge [sflag:s4], $0x0  }
0x19: {  	s7 =	sld [smem:$0x3F96]  }
0x1a: {  	s8 =	sadd.s32 $0xFFFFE003, lr  }
0x1b: {  	s9 =	sadd.s32 $0xFFFFFEF7, lr;
	s5 =	simm.s32 $0xFFFFFFFF;
	p2 =	slt.u32 s8, $0xFFFFF086  }
0x1c: {  	p1 =	slt.u32 s9, $0xF7A;
	s5 =	simm.s32 @!p2 $0x0  }
0x1d: {  	s5 =	simm.s32 @p1 $0x1;
	p0 =	seq.s32 s7, s2  }
0x1e: {  	s7 =	smul.u32 @!p0 $0xF7A, s2;
	p2 =	seq.s32 @!p0 s5, $0x0  }
0x1f: {  	s9 =	smul.u32 $0xF7A, s1;
	s8 =	simm.s32 @!p0 $0x1BF5;
	p2 =	por !p2, p0  }
0x20: {  	[sflag:s8] =	ssyncset.s32 @!p0 $0xFFFFF086;
	s6 =	sadd.s32 @!p0 s3, s7;
	s7 =	simm.s32 @!p0 $0x108  }
0x21: {  	s3 =	sadd.s32 s3, s9;
	s6 =	sadd.s32 @!p0 $0x88, s6;
	s7 =	simm.s32 @p2 $0x1082  }
0x22: {  	[simem:s7], [sflag:s8] =	dma.local @!p0 [hbm:s6], $0xF7A  }
0x23: {  	s9 =	sor.u32 $0xD0000000, s2;
	s6 =	simm.s32 $0x108;
	_ =	swait.ge @!p0 [sflag:s8], $0x0  }
0x24: {  	s3 =	sadd.s32 $0x88, s3;
	s6 =	simm.s32 @!p1 $0x1082;
	[sflag:s4] =	ssyncset.s32 $0xFFFFF086  }
0x25: {  	[simem:s6], [sflag:s4] =	dma.local [hbm:s3], $0xF7A  }
0x26: {  	[smem:$0x3F96] =	sst s1;
	(tag) =	ssettag s2;
	_ =	strace s9  }
0x27: {  	s1 =	sld [smem:$0x3FA6]  }
0x28: {  	s2 =	sld [smem:$0x3FA7]  }
0x29: {  	s4 =	sld [smem:$0x3FA9]  }
0x2a: {  	p0 =	seq.s32 s5, $0x0;
	s5 =	sld [smem:$0x3FAA]  }
0x2b: {  	s6 =	sld [smem:$0x3FAB]  }
0x2c: {  	s7 =	sld [smem:$0x3FAC]  }
0x2d: {  	s3 =	simm.s32 $0x108;
	s8 =	sld [smem:$0x3FAD]  }
0x2e: {  	s3 =	simm.s32 @!p0 $0x1082;
	s9 =	sld [smem:$0x3FAE]  }
0x2f: {  	lr =	sadd.s32 s0, s3;
	s0 =	sld [smem:$0x3FA5]  }
0x30: {  	s3 =	sld [smem:$0x3FA8]  }
0x31: {  	[smem:$0x3FB1] =	sst s10  }
0x32: {  	s10 =	sld [smem:$0x3FAF];
	_ =	sdelay $0x3  }
0x33: {  	p0 =	seq.s32 s10, $0x1;
	s10 =	sld [smem:$0x3FB1];
	_ =	sdelay $0x3  }
0x34: {  	[smem:$0x3FB1] =	sst s10  }
0x35: {  	s10 =	sld [smem:$0x3FB0];
	_ =	sdelay $0x3  }
0x36: {  	p1 =	seq.s32 s10, $0x1;
	s10 =	sld [smem:$0x3FB1];
	_ =	sdelay $0x3  }
0x37: {  	[smem:$0x3FB1] =	sst s10  }
0x38: {  	s10 =	sld [smem:$0x3FB2]  }
0x39: {  	_ = 	snop;
	(pc) =	sbr.ind lr, $3  }
0x3a: {  	_ = 	snop  }
0x3b: {  	_ = 	snop  }
0x3c: {  	p2 =	seq.s32 s10, $0x1;
	s10 =	sld [smem:$0x3FB1]  }
0x3d: {  	_ =	shalt  }
0x3e: {  	_ =	shalt  }
0x3f: {  	_ =	shalt  }
0x40: {  	_ =	shalt  }
0x41: {  	_ =	shalt  }
0x42: {  	_ =	shalt  }
0x43: {  	_ =	shalt  }
0x44: {  	_ =	shalt  }
0x45: {  	_ =	shalt  }
0x46: {  	_ =	shalt  }
0x47: {  	_ =	shalt  }
0x48: {  	_ =	shalt  }
0x49: {  	_ =	shalt  }
0x4a: {  	_ =	shalt  }
0x4b: {  	_ =	shalt  }
0x4c: {  	_ =	shalt  }
0x4d: {  	_ =	shalt  }
0x4e: {  	_ =	shalt  }
0x4f: {  	_ =	shalt  }
0x50: {  	_ =	shalt  }
0x51: {  	_ =	shalt  }
0x52: {  	_ =	shalt  }
0x53: {  	_ =	shalt  }
0x54: {  	_ =	shalt  }
0x55: {  	_ =	shalt  }
0x56: {  	_ =	shalt  }
0x57: {  	_ =	shalt  }
0x58: {  	_ =	shalt  }
0x59: {  	_ =	shalt  }
0x5a: {  	_ =	shalt  }
0x5b: {  	_ =	shalt  }
0x5c: {  	_ =	shalt  }
0x5d: {  	_ =	shalt  }
0x5e: {  	_ =	shalt  }
0x5f: {  	_ =	shalt  }
0x60: {  	_ =	shalt  }
0x61: {  	_ =	shalt  }
0x62: {  	_ =	shalt  }
0x63: {  	_ =	shalt  }
0x64: {  	_ =	shalt  }
0x65: {  	_ =	shalt  }
0x66: {  	_ =	shalt  }
0x67: {  	_ =	shalt  }
0x68: {  	_ =	shalt  }
0x69: {  	_ =	shalt  }
0x6a: {  	_ =	shalt  }
0x6b: {  	_ =	shalt  }
0x6c: {  	_ =	shalt  }
0x6d: {  	_ =	shalt  }
0x6e: {  	_ =	shalt  }
0x6f: {  	_ =	shalt  }
0x70: {  	_ =	shalt  }
0x71: {  	_ =	shalt  }
0x72: {  	_ =	shalt  }
0x73: {  	_ =	shalt  }
0x74: {  	_ =	shalt  }
0x75: {  	_ =	shalt  }
0x76: {  	_ =	shalt  }
0x77: {  	_ =	shalt  }
0x78: {  	_ =	shalt  }
0x79: {  	_ =	shalt  }
0x7a: {  	_ =	shalt  }
0x7b: {  	_ =	shalt  }
0x7c: {  	_ =	shalt  }
0x7d: {  	_ =	shalt  }
0x7e: {  	_ =	shalt  }
0x7f: {  	_ =	shalt  }
0x80: {  	_ =	shalt  }
0x81: {  	_ =	shalt  }
0x82: {  	_ =	shalt  }
0x83: {  	_ =	shalt  }
0x84: {  	_ =	shalt  }
0x85: {  	_ =	shalt  }
0x86: {  	_ =	shalt  }
0x87: {  	_ =	shalt  }
.Lfunc_end0:
.L_simem_size_0:
called_computation_lowered:
.L_overlay_start_0:
0x88: {  	s2 =	sld [smem:$0x3FD9]  }
0x89: {  	s3 =	sld [smem:$0x3FFE];
	_ =	sdelay $0x1  }
0x8a: {  	s1 =	srdreg.scid  }
0x8b: {  	s0 =	sand.u32 $0x1, s1  }
0x8c: {  	s17 =	sshll.u32 s0, $0xA;
	s2 =	sadd.s32 s3, s2  }
0x8d: {  	s2 =	sadd.s32 s2, s17  }
0x8e: {  	[smem:$0x3FBD] =	sst s2  }
0x8f: {  	_ = 	snop  }
0x90: {  	s2 =	sld [smem:$0x3FC9]  }
0x91: {  	s18 =	sld [smem:$0x3FC3];
	(tm) =	ssettm $0x1  }
0x92: {  	s4 =	sld [smem:$0x3FFB];
	_ =	sdelay $0x3  }
0x93: {  	_ =	strace s4  }
0x94: {  	s4 =	sld [smem:$0x3FFC];
	_ =	sdelay $0x3  }
0x95: {  	_ =	strace s4  }
0x96: {  	s4 =	sld [smem:$0x3FFD];
	_ =	sdelay $0x3  }
0x97: {  	_ =	strace s4  }
0x98: {  	_ =	strace $0x8FFFFFFF  }
0x99: {  	s19 =	sld [smem:$0x3FDB];
	_ =	sdelay $0x1  }
0x9a: {  	s5 =	simm.s32 $_scs_section_size  }
0x9b: {  	s6 =	simm.s32 $_size__tile_overlayer_lowered;
	s7 =	simm.s32 $_tile_overlayer_lowered  }
0x9c: {  	s22 =	simm.s32 $0x1BFF;
	s21 =	sshll.u32 s7, $0x1;
	s4 =	sadd.s32 s5, s19  }
0x9d: {  	s8 =	simm.s32 $0x0;
	s20 =	sshll.u32 s6, $0x1;
	s6 =	sadd.s32 s21, s4  }
0x9e: {  	[timem:s8], [sflag:s22] =	dma.local [hbm:s6], s20  }
0x9f: {  	_ =	swait.ge [sflag:s22], s20  }
0xa0: {  	s5 =	ssub.s32 $0x0, s20;
	[sflag:s22] =	ssyncset.done $0x0  }
0xa1: {  	[sflag:s22] =	ssyncadd.s32 s5;
	_ =	sdelay $0x1  }
0xa2: {  	s23 =	simm.s32 $0x1B8B  }
0xa3: {  	_ =	swait.ge [sflag:s23], $0x1  }
0xa4: {  	[sflag:s23] =	ssyncset.done $0x0  }
0xa5: {  	s25 =	simm.s32 $0x1B8E;
	s24 =	sld [smem:$0x3FFE];
	[sflag:s23] =	ssyncadd.s32 $0xFFFFFFFF  }
0xa6: {  	s26 =	simm.s32 $execute0_lowered;
	[smem:$0x3FD2] =	sst s25  }
0xa7: {  	s6 =	sshll.u32 s26, $0x1;
	_ =	strace $0x80000046;
	[dreg:$0x1] =	wrdreg $0xFFFFFFFF  }
0xa8: {  	s28 =	simm.s32 $_size_execute0_lowered;
	s4 =	sadd.s32 s4, s6;
	[dreg:$0x0] =	wrdreg $0x0  }
0xa9: {  	s6 =	sshll.u32 s28, $0x1;
	[dreg:$0x2] =	wrdreg s4  }
0xaa: {  	[dreg:$0x3] =	wrdreg s6  }
0xab: {  	[dreg:$0x4] =	wrdreg $0xC0  }
0xac: {  	_ =	task [dreg:s8], $0x5FFFF  }
0xad: {  	[dreg:$0x1] =	wrdreg $0xFFFFFFFF  }
0xae: {  	[dreg:$0x0] =	wrdreg $0x60  }
0xaf: {  	[dreg:$0x2] =	wrdreg s18  }
0xb0: {  	[dreg:$0x3] =	wrdreg s2  }
0xb1: {  	[dreg:$0x4] =	wrdreg s24  }
0xb2: {  	[dreg:$0x5] =	wrdreg $0x2C000  }
0xb3: {  	[dreg:$0x6] =	wrdreg $0x9  }
0xb4: {  	_ =	task.clear_ibuf [dreg:s8], $0x7FFFF;
	_ =	strace $0x90000046  }
0xb5: {  	s29 =	simm.s32 $0x9;
	_ =	strace $0x80000048  }
0xb6: {  	_ =	swait.ge [sflag:s29], $0x1  }
0xb7: {  	[sflag:s29] =	ssyncadd.s32 $0xFFFFFFFF  }
0xb8: {  	_ =	strace $0x90000048  }
0xb9: {  	_ =	sfence  }
0xba: {  	s30 =	sld [smem:$0x0];
	_ =	sdelay $0x2  }
0xbb: {  	s31 =	sshll.u32 s1, $0xD;
	s1 =	sshrl.u32 s1, $0x2  }
0xbc: {  	s3 =	sand.u32 $0x4000, s31;
	s1 =	sadd.s32 s1, s30  }
0xbd: {  	s0 =	sor.u32 s3, s0;
	s1 =	sshll.u32 s1, $0x11  }
0xbe: {  	s0 =	sor.u32 s1, s0  }
0xbf: {  	s0 =	sadd.s32 $0x8F2B, s0  }
0xc0: {  	[sflag:s0] =	ssyncadd.remote.s32 $0x1  }
0xc1: {  	_ =	sfence.sel $0xFFFF  }
0xc2: {  	[dreg:$0x0] =	wrdreg $0xFFFFFFFF;
	(pc) =	sbr.abs _section_cstart, $3  }
0xc3: {  	[dreg:$0x1] =	wrdreg $0xFFFFFFFF  }
0xc4: {  	_ =	task.clear_ibuf [dreg:s8], $0x2FFFF;
	_ =	strace $0x9FFFFFFF  }
0xc5: {  	(tm) =	ssettm $0x7FFFFFFF  }
tec
execute0_lowered:
.L_overlay_start_1:
0x0: {  	(tag) =	ssettag $0x1  }
0x1: {  	s0 =	rddreg [dreg:$0x0]  }
0x2: {  	s12 =	rddreg [dreg:$0x1]  }
0x3: {  	s14 =	rddreg [dreg:$0x2]  }
0x4: {  	s1 =	srdreg.scid;
	s2 =	stileid.u32  }
0x5: {  	s3 =	rddreg [dreg:$0x3];
	s7 =	smul.u32 $0x2710, s2  }
0x6: {  	s4 =	simm.s32 $0x0;
	s6 =	sand.u32 $0x1, s1;
	s25 =	smul.u32 $0x280, s2  }
0x7: {  	s22 =	simm.s32 $0x380;
	s29 =	smul.u32 $0x2800, s2;
	s24 =	sshll.u32 s6, $0x4  }
0x8: {  	s1 =	rddreg [dreg:$0x4];
	s5 =	smul.u32 $0x27100, s6;
	s24 =	sor.u32 s2, s24  }
0x9: {  	s23 =	simm.s32 $0x400;
	[smem:$0x7FF] =	sst s4;
	s8 =	smul.u32 $0xA, s24  }
0xa: {  	s15 =	sadd.s32 $0x18A00, s14;
	s10 =	smul.u32 $0x500, s24;
	s11 =	sor.u32 $0x20, s24  }
0xb: {  	_ =	strace $0x80000047;
	s26 =	ssub.s32 $0x2, s6;
	s28 =	smul.u32 $0xA, s11  }
0xc: {  	p0 =	seq.s32 s6, $0x1;
	s13 =	sor.u32 $0x40, s24;
	s11 =	smul.u32 $0x500, s11  }
0xd: {  	s9 =	sshrl.u32 s26, $0x1;
	s18 =	sshrl.u32 s25, $0x3;
	s19 =	smul.u32 $0xA, s13  }
0xe: {  	s5 =	sadd.s32 s7, s5;
	s20 =	sor.u32 $0x60, s24;
	s13 =	smul.u32 $0x500, s13  }
0xf: {  	s16 =	ssub.s32 s26, s9;
	s5 =	sshrl.u32 s5, $0x3;
	s21 =	smul.u32 $0xA, s20  }
0x10: {  	s30 =	smul.u32 $0x500, s20;
	s20 =	simm.s32 $0x18400;
	s17 =	sadd.s32 s5, s14  }
0x11: {  	s5 =	sadd.s32 s25, s3;
	s6 =	sadd.s32 s12, s8;
	s7 =	sadd.s32 s15, s10  }
0x12: {  	s20 =	simm.s32 @!p0 $0x17E00;
	p0 =	sgt.u32 s24, $0x1C;
	s25 =	simm.s32 $0x0  }
0x13: {  	s8 =	sadd.s32 s12, s28;
	s9 =	sadd.s32 s15, s11;
	s10 =	sadd.s32 s12, s19  }
0x14: {  	s11 =	sadd.s32 s15, s13;
	s12 =	sadd.s32 s12, s21;
	s19 =	sshrl.u32 s29, $0x3  }
.Ltmp0:
0x15: {  	s13 =	sadd.s32 s15, s30;
	s31 =	sadd.s32 s20, s14;
	(pc) =	sbr.rel .LBB2_1-.Ltmp0, $4  }
0x16: {  	s17 =	sadd.s32 $0xE000, s17;
	s20 =	simm.s32 $0x50;
	s21 =	simm.s32 $0x80  }
0x17: {  	p1 =	sgt.u32 @!p0 s24, $0x2;
	s24 =	simm.s32 $0x1;
	s15 =	sadd.s32 s15, s19  }
0x18: {  	s19 =	simm.s32 $0x2;
	p1 =	por p0, p1;
	s14 =	sadd.s32 $0x27100, s15  }
0x19: {  	v0 =	vimm.f32 $0.0e+00;
	v1 =	vimm.f32 $1.000000000e+00;
	s15 =	smax.u32 s16, $0x1;
	s16 =	sadd.s32 s31, s18;
	s18 =	simm.s32 $0x100  }
.LBB2_6:
0x1a: {  	[tilespmem:s26+$0x470] =	vst v0  }
0x1b: {  	[tilespmem:s26+$0x400] =	vst v0  }
0x1c: {  	[tilespmem:s26+$0x410] =	vst v0  }
0x1d: {  	[tilespmem:s26+$0x420] =	vst v0  }
0x1e: {  	[tilespmem:s26+$0x430] =	vst v0  }
0x1f: {  	[tilespmem:s26+$0x440] =	vst v0  }
0x20: {  	[tilespmem:s26+$0x450] =	vst v0  }
0x21: {  	[tilespmem:s26+$0x460] =	vst v0  }
0x22: {  	[hbm4b:s14+s4] =	stream.linear.scatter [tilespmem:s23], [sflag:$0x2], $0x2800, $0x38;
	[tilespmem:$0x2E80] =	vst v63  }
0x23: {  	_ =	swait.ge [sflag:s19], $0x2800  }
0x24: {  	[sflag:s19] =	ssyncset.done $0x0  }
0x25: {  	[sflag:s19] =	ssyncadd.s32 $0xFFFFD800  }
.LBB2_7:
0x26: {  	s25 =	sadd.s32 $0x1, s25  }
0x27: {  	p2 =	sne.s32 s25, s15  }
.Ltmp1:
0x28: {  	_ = 	snop;
	(pc) =	sbr.rel @!p2 .LBB2_8-.Ltmp1, $1  }
0x29: {  	_ =	sdelay $0x3  }
.LBB2_1:
0x2a: {  	[tilespmem:$0x100] =	vst v0  }
0x2b: {  	[tilespmem:$0x110] =	vst v0  }
0x2c: {  	[tilespmem:$0x120] =	vst v0  }
0x2d: {  	[tilespmem:$0x130] =	vst v0  }
0x2e: {  	[tilespmem:$0x140] =	vst v0  }
0x2f: {  	[tilespmem:$0x150] =	vst v0  }
0x30: {  	[tilespmem:$0x160] =	vst v0  }
0x31: {  	[tilespmem:$0x170] =	vst v0  }
0x32: {  	[tilespmem:$0x180] =	vst v0  }
0x33: {  	[tilespmem:$0x190] =	vst v0  }
0x34: {  	[tilespmem:$0x1A0] =	vst v0  }
0x35: {  	[tilespmem:$0x1B0] =	vst v0  }
0x36: {  	[tilespmem:$0x1C0] =	vst v0  }
0x37: {  	[tilespmem:$0x1D0] =	vst v0  }
0x38: {  	[tilespmem:$0x1E0] =	vst v0  }
0x39: {  	[tilespmem:$0x1F0] =	vst v0  }
0x3a: {  	[tilespmem:$0x200] =	vst v0  }
0x3b: {  	[tilespmem:$0x210] =	vst v0  }
0x3c: {  	[tilespmem:$0x220] =	vst v0  }
0x3d: {  	[tilespmem:$0x230] =	vst v0  }
0x3e: {  	[tilespmem:$0x240] =	vst v0  }
0x3f: {  	[tilespmem:$0x250] =	vst v0  }
0x40: {  	[tilespmem:$0x260] =	vst v0  }
0x41: {  	[tilespmem:$0x270] =	vst v0  }
0x42: {  	[tilespmem:$0x280] =	vst v0  }
0x43: {  	[tilespmem:$0x290] =	vst v0  }
0x44: {  	[tilespmem:$0x2A0] =	vst v0  }
0x45: {  	[tilespmem:$0x2B0] =	vst v0  }
0x46: {  	[tilespmem:$0x2C0] =	vst v0  }
0x47: {  	[tilespmem:$0x2D0] =	vst v0  }
0x48: {  	[tilespmem:$0x2E0] =	vst v0  }
0x49: {  	[tilespmem:$0x2F0] =	vst v0  }
0x4a: {  	[tilespmem:$0x300] =	vst v0  }
0x4b: {  	[tilespmem:$0x310] =	vst v0  }
0x4c: {  	[tilespmem:$0x320] =	vst v0  }
0x4d: {  	[tilespmem:$0x330] =	vst v0  }
0x4e: {  	[tilespmem:$0x340] =	vst v0  }
0x4f: {  	[tilespmem:$0x350] =	vst v0  }
0x50: {  	[tilespmem:$0x360] =	vst v0  }
0x51: {  	[tilespmem:$0x370] =	vst v0  }
0x52: {  	[spmem:s5] =	stream.linear.scatter [tilespmem:s18], [sflag:$0x2], $0x280, $0x38;
	[tilespmem:$0x2E80] =	vst v63  }
0x53: {  	_ =	swait.ge [sflag:s19], $0x280  }
0x54: {  	[sflag:s19] =	ssyncset.done $0x0  }
0x55: {  	[sflag:s19] =	ssyncadd.s32 $0xFFFFFD80  }
0x56: {  	[tilespmem:$0x80] =	vst v1  }
0x57: {  	[tilespmem:$0x90] =	vst v1  }
0x58: {  	[tilespmem:$0xA0] =	vst v1  }
0x59: {  	[tilespmem:$0xB0] =	vst v1  }
0x5a: {  	[tilespmem:$0xC0] =	vst v1  }
0x5b: {  	s26 =	sadd.s32 $0x0, s17;
	[bflag:$0x0] =	sbarrier.arrive $0xFFFF  }
0x5c: {  	[tilespmem:s4], [sflag:$0x2] =	stream.linear.gather [hbm4b:s26+s4], $0x50, $0x38;
	[tilespmem:$0x2E80] =	vst v63  }
0x5d: {  	_ =	swait.ge [sflag:s19], $0x50  }
0x5e: {  	[sflag:s19] =	ssyncset.done $0x0  }
0x5f: {  	[sflag:s19] =	ssyncadd.s32 $0xFFFFFFB0  }
0x60: {  	[spmem:s3] =	stream.indirect.scatter.add.f32 [tilespmem:s21], [sflag:$0x2], $0x1, s4, s20, $0xb8;
	[tilespmem:$0x2E80] =	vst v63  }
0x61: {  	_ =	swait.ge [sflag:s19], $0x50  }
0x62: {  	s28 =	simm.s32 $0x14;
	s26 =	simm.s32 $0xA;
	[sflag:s19] =	ssyncset.done $0x0  }
.LBB2_2:
0x63: {  	s29 =	sadd.s32 s26, s17  }
0x64: {  	[sflag:s19] =	ssyncadd.s32 $0xFFFFFFB0;
	s26 =	smov.u32 s28;
	s30 =	sadd.s32 $0xA, s28  }
0x65: {  	[tilespmem:s4], [sflag:$0x2] =	stream.linear.gather [hbm4b:s29+s4], $0x50, $0x38;
	[tilespmem:$0x2E80] =	vst v63  }
0x66: {  	p2 =	sne.s32 s28, $0x4D8;
	_ =	swait.ge [sflag:s19], $0x50  }
.Ltmp2:
0x67: {  	[sflag:s19] =	ssyncset.done $0x0;
	(pc) =	sbr.rel @p2 .LBB2_2-.Ltmp2, $4  }
0x68: {  	[sflag:s19] =	ssyncadd.s32 $0xFFFFFFB0  }
0x69: {  	[spmem:s3] =	stream.indirect.scatter.add.f32 [tilespmem:s21], [sflag:$0x2], $0x1, s4, s20, $0xb8;
	[tilespmem:$0x2E80] =	vst v63  }
0x6a: {  	_ =	swait.ge [sflag:s19], $0x50  }
0x6b: {  	s28 =	smov.u32 s30;
	[sflag:s19] =	ssyncset.done $0x0  }
0x6c: {  	s26 =	sadd.s32 s26, s17;
	[sflag:s19] =	ssyncadd.s32 $0xFFFFFFB0  }
0x6d: {  	[tilespmem:s4], [sflag:$0x2] =	stream.linear.gather [hbm4b:s26+s4], $0x50, $0x38;
	[tilespmem:$0x2E80] =	vst v63  }
0x6e: {  	_ =	swait.ge [sflag:s19], $0x50  }
0x6f: {  	[sflag:s19] =	ssyncset.done $0x0  }
0x70: {  	[sflag:s19] =	ssyncadd.s32 $0xFFFFFFB0  }
0x71: {  	[spmem:s3] =	stream.indirect.scatter.add.f32 [tilespmem:s21], [sflag:$0x2], $0x1, s4, s20, $0xb8;
	[tilespmem:$0x2E80] =	vst v63  }
0x72: {  	_ =	swait.ge [sflag:s19], $0x50  }
0x73: {  	[sflag:s19] =	ssyncset.done $0x0  }
0x74: {  	[sflag:s19] =	ssyncadd.s32 $0xFFFFFFB0  }
0x75: {  	[bflag:$0x0] =	sbarrier.arrive $0xFFFF  }
0x76: {  	[tilespmem:s18], [sflag:$0x2] =	stream.linear.gather [spmem:s5], $0x280, $0x38;
	[tilespmem:$0x2E80] =	vst v63  }
0x77: {  	_ =	swait.ge [sflag:s19], $0x280  }
0x78: {  	[sflag:s19] =	ssyncset.done $0x0  }
0x79: {  	[sflag:s19] =	ssyncadd.s32 $0xFFFFFD80  }
0x7a: {  	[hbm4b:s16+s4] =	stream.linear.scatter [tilespmem:s18], [sflag:$0x2], $0x280, $0x38;
	[tilespmem:$0x2E80] =	vst v63  }
0x7b: {  	_ =	swait.ge [sflag:s19], $0x280  }
0x7c: {  	[sflag:s19] =	ssyncset.done $0x0  }
0x7d: {  	[sflag:s19] =	ssyncadd.s32 $0xFFFFFD80  }
0x7e: {  	[tilespmem:s22], [sflag:$0x2] =	stream.linear.gather [hbm4b:s6+s4], $0x50, $0x38;
	[tilespmem:$0x2E80] =	vst v63  }
0x7f: {  	_ =	swait.ge [sflag:s19], $0x50  }
0x80: {  	[sflag:s19] =	ssyncset.done $0x0  }
0x81: {  	[sflag:s19] =	ssyncadd.s32 $0xFFFFFFB0  }
0x82: {  	[tilespmem:s23], [sflag:$0x1] =	stream.indirect.gather [hbm4b:s0+s20], $0x80, s22, s20, $0xb8;
	[tilespmem:$0x2E80] =	vst v63  }
0x83: {  	_ =	swait.ge [sflag:s24], $0x2800  }
0x84: {  	[sflag:s24] =	ssyncset.done $0x0  }
0x85: {  	[sflag:s24] =	ssyncadd.s32 $0xFFFFD800  }
0x86: {  	[hbm4b:s7+s4] =	stream.linear.scatter [tilespmem:s23], [sflag:$0x2], $0x2800, $0x38;
	[tilespmem:$0x2E80] =	vst v63  }
0x87: {  	_ =	swait.ge [sflag:s19], $0x2800  }
0x88: {  	[sflag:s19] =	ssyncset.done $0x0  }
0x89: {  	[sflag:s19] =	ssyncadd.s32 $0xFFFFD800  }
0x8a: {  	[tilespmem:s22], [sflag:$0x2] =	stream.linear.gather [hbm4b:s8+s4], $0x50, $0x38;
	[tilespmem:$0x2E80] =	vst v63  }
0x8b: {  	_ =	swait.ge [sflag:s19], $0x50  }
0x8c: {  	[sflag:s19] =	ssyncset.done $0x0  }
0x8d: {  	[sflag:s19] =	ssyncadd.s32 $0xFFFFFFB0  }
0x8e: {  	[tilespmem:s23], [sflag:$0x1] =	stream.indirect.gather [hbm4b:s0+s20], $0x80, s22, s20, $0xb8;
	[tilespmem:$0x2E80] =	vst v63  }
0x8f: {  	_ =	swait.ge [sflag:s24], $0x2800  }
0x90: {  	[sflag:s24] =	ssyncset.done $0x0  }
0x91: {  	[sflag:s24] =	ssyncadd.s32 $0xFFFFD800  }
0x92: {  	[hbm4b:s9+s4] =	stream.linear.scatter [tilespmem:s23], [sflag:$0x2], $0x2800, $0x38;
	[tilespmem:$0x2E80] =	vst v63  }
0x93: {  	_ =	swait.ge [sflag:s19], $0x2800  }
0x94: {  	[sflag:s19] =	ssyncset.done $0x0  }
0x95: {  	[sflag:s19] =	ssyncadd.s32 $0xFFFFD800  }
0x96: {  	[tilespmem:s22], [sflag:$0x2] =	stream.linear.gather [hbm4b:s10+s4], $0x50, $0x38;
	[tilespmem:$0x2E80] =	vst v63  }
0x97: {  	_ =	swait.ge [sflag:s19], $0x50  }
0x98: {  	[sflag:s19] =	ssyncset.done $0x0  }
0x99: {  	[sflag:s19] =	ssyncadd.s32 $0xFFFFFFB0  }
0x9a: {  	[tilespmem:s23], [sflag:$0x1] =	stream.indirect.gather [hbm4b:s0+s20], $0x80, s22, s20, $0xb8;
	[tilespmem:$0x2E80] =	vst v63  }
0x9b: {  	_ =	swait.ge [sflag:s24], $0x2800  }
0x9c: {  	[sflag:s24] =	ssyncset.done $0x0  }
0x9d: {  	[sflag:s24] =	ssyncadd.s32 $0xFFFFD800  }
0x9e: {  	[hbm4b:s11+s4] =	stream.linear.scatter [tilespmem:s23], [sflag:$0x2], $0x2800, $0x38;
	[tilespmem:$0x2E80] =	vst v63  }
0x9f: {  	_ =	swait.ge [sflag:s19], $0x2800  }
0xa0: {  	s28 =	simm.s32 @!p0 $0x0;
	[sflag:s19] =	ssyncset.done $0x0  }
0xa1: {  	s29 =	simm.s32 @!p0 $0x2;
	s26 =	simm.s32 @!p0 $0x380;
	[sflag:s19] =	ssyncadd.s32 $0xFFFFD800  }
0xa2: {  	[tilespmem:s26], [sflag:$0x2] =	stream.linear.gather @!p0 [hbm4b:s12+s28], $0x50, $0x38;
	[tilespmem:$0x2E80] =	vst v63  }
0xa3: {  	_ =	swait.ge @!p0 [sflag:s29], $0x50  }
0xa4: {  	[sflag:s29] =	ssyncset.done @!p0 $0x0  }
0xa5: {  	s30 =	simm.s32 @!p0 $0x50;
	s31 =	simm.s32 @!p0 $0x400;
	[sflag:s29] =	ssyncadd.s32 @!p0 $0xFFFFFFB0  }
0xa6: {  	[tilespmem:s31], [sflag:$0x1] =	stream.indirect.gather @!p0 [hbm4b:s0+s30], $0x80, s26, s30, $0xb8;
	[tilespmem:$0x2E80] =	vst v63  }
0xa7: {  	s26 =	simm.s32 @!p0 $0x1  }
0xa8: {  	_ =	swait.ge @!p0 [sflag:s26], $0x2800  }
0xa9: {  	[sflag:s26] =	ssyncset.done @!p0 $0x0  }
.Ltmp3:
0xaa: {  	[sflag:s26] =	ssyncadd.s32 @!p0 $0xFFFFD800;
	(pc) =	sbr.rel @p1 .LBB2_7-.Ltmp3, $4  }
0xab: {  	[hbm4b:s13+s28] =	stream.linear.scatter @!p0 [tilespmem:s31], [sflag:$0x2], $0x2800, $0x38;
	[tilespmem:$0x2E80] =	vst v63  }
0xac: {  	_ =	swait.ge @!p0 [sflag:s29], $0x2800  }
0xad: {  	[sflag:s29] =	ssyncset.done @!p0 $0x0  }
0xae: {  	[sflag:s29] =	ssyncadd.s32 @!p0 $0xFFFFD800  }
0xaf: {  	s26 =	sshra.s32 s28, $0x2;
	s28 =	sadd.s32 $0x200, s28  }
.LBB2_5:
0xb0: {  	p2 =	sne.s32 s28, $0x9E00;
	[tilespmem:s26+$0x470] =	vst v0  }
0xb1: {  	[tilespmem:s26+$0x400] =	vst v0  }
0xb2: {  	[tilespmem:s26+$0x410] =	vst v0  }
.Ltmp4:
0xb3: {  	[tilespmem:s26+$0x420] =	vst v0;
	(pc) =	sbr.rel @p2 .LBB2_5-.Ltmp4, $4  }
0xb4: {  	[tilespmem:s26+$0x430] =	vst v0  }
0xb5: {  	[tilespmem:s26+$0x440] =	vst v0  }
0xb6: {  	[tilespmem:s26+$0x450] =	vst v0  }
0xb7: {  	[tilespmem:s26+$0x460] =	vst v0;
	s26 =	sshra.s32 s28, $0x2;
	s28 =	sadd.s32 $0x200, s28  }
.Ltmp5:
0xb8: {  	_ = 	snop;
	(pc) =	sbr.rel .LBB2_6-.Ltmp5, $1  }
0xb9: {  	_ =	sdelay $0x3  }
.LBB2_8:
0xba: {  	_ =	sfence.sel $0x180000  }
0xbb: {  	[bflag:$0x0] =	sbarrier.arrive $0xFFFF  }
0xbc: {  	p0 =	sne.s32 s2, $0x0;
	_ =	strace $0x90000047  }
0xbd: {  	s0 =	sadd.s32 @!p0 $0x100000, s1;
	[bflag:$0x2] =	sbarrier.arrive $0xFFFF  }
0xbe: {  	[sflag:s0] =	ssyncadd.tile.s32 @!p0 $0x1;
	_ =	shalt  }
.Lfunc_end2:
_tile_overlayer_lowered:
.L_overlay_start_2:
0xbf: {  	(tag) =	ssettag $0x2  }
0xc0: {  	s0 =	rddreg [dreg:$0x0];
	s2 =	stileid.u32  }
0xc1: {  	s1 =	rddreg [dreg:$0x1];
	p0 =	sne.s32 s2, $0x0  }
0xc2: {  	s3 =	rddreg [dreg:$0x2];
	[bflag:$0x3] =	sbarrier.arrive $0xFFFF;
	s2 =	simm.s32 @!p0 $0x1C02  }
0xc3: {  	[timem:s3], [sflag:s2] =	dma.local @!p0 [hbm:s0], s1  }
0xc4: {  	s0 =	simm.s32 @!p0 $0x2  }
0xc5: {  	_ =	swait.ge @!p0 [sflag:s0], s1  }
0xc6: {  	s1 =	ssub.s32 @!p0 $0x0, s1;
	[sflag:s0] =	ssyncset.done @!p0 $0x0  }
0xc7: {  	[sflag:s0] =	ssyncadd.s32 @!p0 s1  }
0xc8: {  	[bflag:$0x3] =	sbarrier.arrive $0xFFFF  }
0xc9: {  	_ =	shalt  }

// kernel: kernel.13.cloned.1.call-start
scs
__scs_entry_jumppad:
0x0: {  	(pc) =	sbr.rel $0x88, $3  }
0x1: {  	(tag) =	ssettag $0x0;
	lr =	simm.s32 $0x1  }
0x2: {  	[smem:$0x3F96] =	sst lr;
	_ =	strace $0xD0000000  }
0x3: {  	_ = 	snop  }
0x4: {  	_ = 	snop  }
0x5: {  	_ = 	snop  }
0x6: {  	_ = 	snop  }
0x7: {  	_ = 	snop  }
__scs_overlays_trampoline_lowered:
0x8: {  	[smem:$0x3FA5] =	sst s0  }
0x9: {  	[smem:$0x3FA6] =	sst s1  }
0xa: {  	[smem:$0x3FA7] =	sst s2  }
0xb: {  	[smem:$0x3FA8] =	sst s3  }
0xc: {  	[smem:$0x3FA9] =	sst s4  }
0xd: {  	[smem:$0x3FAA] =	sst s5  }
0xe: {  	[smem:$0x3FAB] =	sst s6  }
0xf: {  	[smem:$0x3FAC] =	sst s7  }
0x10: {  	[smem:$0x3FAD] =	sst s8  }
0x11: {  	[smem:$0x3FAE] =	sst s9;
	s0 =	simm.s32 @!p0 $0x0  }
0x12: {  	s1 =	sld [smem:$0x3F94];
	s0 =	simm.s32 @p0 $0x1  }
0x13: {  	[smem:$0x3FAF] =	sst s0;
	s0 =	simm.s32 @!p1 $0x0  }
0x14: {  	s2 =	sld [smem:$0x3F93];
	s0 =	simm.s32 @p1 $0x1  }
0x15: {  	[smem:$0x3FB0] =	sst s0;
	s0 =	simm.s32 @!p2 $0x0  }
0x16: {  	s3 =	sld [smem:$0x3FDB];
	s0 =	simm.s32 @p2 $0x1  }
0x17: {  	s4 =	simm.s32 $0x1BF5;
	[smem:$0x3FB2] =	sst s0  }
0x18: {  	s0 =	sld [smem:$0x3F95];
	_ =	swait.ge [sflag:s4], $0x0  }
0x19: {  	s7 =	sld [smem:$0x3F96]  }
0x1a: {  	s8 =	sadd.s32 $0xFFFFE003, lr  }
0x1b: {  	s9 =	sadd.s32 $0xFFFFFEF7, lr;
	s5 =	simm.s32 $0xFFFFFFFF;
	p2 =	slt.u32 s8, $0xFFFFF086  }
0x1c: {  	p1 =	slt.u32 s9, $0xF7A;
	s5 =	simm.s32 @!p2 $0x0  }
0x1d: {  	s5 =	simm.s32 @p1 $0x1;
	p0 =	seq.s32 s7, s2  }
0x1e: {  	s7 =	smul.u32 @!p0 $0xF7A, s2;
	p2 =	seq.s32 @!p0 s5, $0x0  }
0x1f: {  	s9 =	smul.u32 $0xF7A, s1;
	s8 =	simm.s32 @!p0 $0x1BF5;
	p2 =	por !p2, p0  }
0x20: {  	[sflag:s8] =	ssyncset.s32 @!p0 $0xFFFFF086;
	s6 =	sadd.s32 @!p0 s3, s7;
	s7 =	simm.s32 @!p0 $0x108  }
0x21: {  	s3 =	sadd.s32 s3, s9;
	s6 =	sadd.s32 @!p0 $0x88, s6;
	s7 =	simm.s32 @p2 $0x1082  }
0x22: {  	[simem:s7], [sflag:s8] =	dma.local @!p0 [hbm:s6], $0xF7A  }
0x23: {  	s9 =	sor.u32 $0xD0000000, s2;
	s6 =	simm.s32 $0x108;
	_ =	swait.ge @!p0 [sflag:s8], $0x0  }
0x24: {  	s3 =	sadd.s32 $0x88, s3;
	s6 =	simm.s32 @!p1 $0x1082;
	[sflag:s4] =	ssyncset.s32 $0xFFFFF086  }
0x25: {  	[simem:s6], [sflag:s4] =	dma.local [hbm:s3], $0xF7A  }
0x26: {  	[smem:$0x3F96] =	sst s1;
	(tag) =	ssettag s2;
	_ =	strace s9  }
0x27: {  	s1 =	sld [smem:$0x3FA6]  }
0x28: {  	s2 =	sld [smem:$0x3FA7]  }
0x29: {  	s4 =	sld [smem:$0x3FA9]  }
0x2a: {  	p0 =	seq.s32 s5, $0x0;
	s5 =	sld [smem:$0x3FAA]  }
0x2b: {  	s6 =	sld [smem:$0x3FAB]  }
0x2c: {  	s7 =	sld [smem:$0x3FAC]  }
0x2d: {  	s3 =	simm.s32 $0x108;
	s8 =	sld [smem:$0x3FAD]  }
0x2e: {  	s3 =	simm.s32 @!p0 $0x1082;
	s9 =	sld [smem:$0x3FAE]  }
0x2f: {  	lr =	sadd.s32 s0, s3;
	s0 =	sld [smem:$0x3FA5]  }
0x30: {  	s3 =	sld [smem:$0x3FA8]  }
0x31: {  	[smem:$0x3FB1] =	sst s10  }
0x32: {  	s10 =	sld [smem:$0x3FAF];
	_ =	sdelay $0x3  }
0x33: {  	p0 =	seq.s32 s10, $0x1;
	s10 =	sld [smem:$0x3FB1];
	_ =	sdelay $0x3  }
0x34: {  	[smem:$0x3FB1] =	sst s10  }
0x35: {  	s10 =	sld [smem:$0x3FB0];
	_ =	sdelay $0x3  }
0x36: {  	p1 =	seq.s32 s10, $0x1;
	s10 =	sld [smem:$0x3FB1];
	_ =	sdelay $0x3  }
0x37: {  	[smem:$0x3FB1] =	sst s10  }
0x38: {  	s10 =	sld [smem:$0x3FB2]  }
0x39: {  	_ = 	snop;
	(pc) =	sbr.ind lr, $3  }
0x3a: {  	_ = 	snop  }
0x3b: {  	_ = 	snop  }
0x3c: {  	p2 =	seq.s32 s10, $0x1;
	s10 =	sld [smem:$0x3FB1]  }
0x3d: {  	_ =	shalt  }
0x3e: {  	_ =	shalt  }
0x3f: {  	_ =	shalt  }
0x40: {  	_ =	shalt  }
0x41: {  	_ =	shalt  }
0x42: {  	_ =	shalt  }
0x43: {  	_ =	shalt  }
0x44: {  	_ =	shalt  }
0x45: {  	_ =	shalt  }
0x46: {  	_ =	shalt  }
0x47: {  	_ =	shalt  }
0x48: {  	_ =	shalt  }
0x49: {  	_ =	shalt  }
0x4a: {  	_ =	shalt  }
0x4b: {  	_ =	shalt  }
0x4c: {  	_ =	shalt  }
0x4d: {  	_ =	shalt  }
0x4e: {  	_ =	shalt  }
0x4f: {  	_ =	shalt  }
0x50: {  	_ =	shalt  }
0x51: {  	_ =	shalt  }
0x52: {  	_ =	shalt  }
0x53: {  	_ =	shalt  }
0x54: {  	_ =	shalt  }
0x55: {  	_ =	shalt  }
0x56: {  	_ =	shalt  }
0x57: {  	_ =	shalt  }
0x58: {  	_ =	shalt  }
0x59: {  	_ =	shalt  }
0x5a: {  	_ =	shalt  }
0x5b: {  	_ =	shalt  }
0x5c: {  	_ =	shalt  }
0x5d: {  	_ =	shalt  }
0x5e: {  	_ =	shalt  }
0x5f: {  	_ =	shalt  }
0x60: {  	_ =	shalt  }
0x61: {  	_ =	shalt  }
0x62: {  	_ =	shalt  }
0x63: {  	_ =	shalt  }
0x64: {  	_ =	shalt  }
0x65: {  	_ =	shalt  }
0x66: {  	_ =	shalt  }
0x67: {  	_ =	shalt  }
0x68: {  	_ =	shalt  }
0x69: {  	_ =	shalt  }
0x6a: {  	_ =	shalt  }
0x6b: {  	_ =	shalt  }
0x6c: {  	_ =	shalt  }
0x6d: {  	_ =	shalt  }
0x6e: {  	_ =	shalt  }
0x6f: {  	_ =	shalt  }
0x70: {  	_ =	shalt  }
0x71: {  	_ =	shalt  }
0x72: {  	_ =	shalt  }
0x73: {  	_ =	shalt  }
0x74: {  	_ =	shalt  }
0x75: {  	_ =	shalt  }
0x76: {  	_ =	shalt  }
0x77: {  	_ =	shalt  }
0x78: {  	_ =	shalt  }
0x79: {  	_ =	shalt  }
0x7a: {  	_ =	shalt  }
0x7b: {  	_ =	shalt  }
0x7c: {  	_ =	shalt  }
0x7d: {  	_ =	shalt  }
0x7e: {  	_ =	shalt  }
0x7f: {  	_ =	shalt  }
0x80: {  	_ =	shalt  }
0x81: {  	_ =	shalt  }
0x82: {  	_ =	shalt  }
0x83: {  	_ =	shalt  }
0x84: {  	_ =	shalt  }
0x85: {  	_ =	shalt  }
0x86: {  	_ =	shalt  }
0x87: {  	_ =	shalt  }
.Lfunc_end0:
.L_simem_size_0:
called_computation.1_lowered:
.L_overlay_start_0:
0x88: {  	s2 =	sld [smem:$0x3FD9]  }
0x89: {  	s3 =	sld [smem:$0x3FFE];
	_ =	sdelay $0x1  }
0x8a: {  	s1 =	srdreg.scid  }
0x8b: {  	s0 =	sand.u32 $0x1, s1  }
0x8c: {  	s16 =	sshll.u32 s0, $0xA;
	s2 =	sadd.s32 s3, s2  }
0x8d: {  	s2 =	sadd.s32 s2, s16  }
0x8e: {  	[smem:$0x3FBD] =	sst s2  }
0x8f: {  	_ = 	snop  }
0x90: {  	(tm) =	ssettm $0x1  }
0x91: {  	s17 =	sld [smem:$0x3FFB];
	_ =	sdelay $0x3  }
0x92: {  	_ =	strace s17  }
0x93: {  	s2 =	sld [smem:$0x3FFC];
	_ =	sdelay $0x3  }
0x94: {  	_ =	strace s2  }
0x95: {  	s2 =	sld [smem:$0x3FFD];
	_ =	sdelay $0x3  }
0x96: {  	_ =	strace s2  }
0x97: {  	_ =	strace $0x8FFFFFFF  }
0x98: {  	s18 =	sld [smem:$0x3FDB];
	_ =	sdelay $0x1  }
0x99: {  	s19 =	simm.s32 $_scs_section_size  }
0x9a: {  	s4 =	simm.s32 $_size__tile_overlayer_lowered;
	s5 =	simm.s32 $_tile_overlayer_lowered  }
0x9b: {  	s22 =	simm.s32 $0x1BFF;
	s21 =	sshll.u32 s5, $0x1;
	s2 =	sadd.s32 s19, s18  }
0x9c: {  	s6 =	simm.s32 $0x0;
	s20 =	sshll.u32 s4, $0x1;
	s4 =	sadd.s32 s21, s2  }
0x9d: {  	[timem:s6], [sflag:s22] =	dma.local [hbm:s4], s20  }
0x9e: {  	_ =	swait.ge [sflag:s22], s20  }
0x9f: {  	s3 =	ssub.s32 $0x0, s20;
	[sflag:s22] =	ssyncset.done $0x0  }
0xa0: {  	[sflag:s22] =	ssyncadd.s32 s3;
	_ =	sdelay $0x1  }
0xa1: {  	s23 =	simm.s32 $0x1B8B  }
0xa2: {  	_ =	swait.ge [sflag:s23], $0x1  }
0xa3: {  	[sflag:s23] =	ssyncset.done $0x0  }
0xa4: {  	s25 =	simm.s32 $0x1B8E;
	s24 =	sld [smem:$0x3FFE];
	[sflag:s23] =	ssyncadd.s32 $0xFFFFFFFF  }
0xa5: {  	s26 =	simm.s32 $execute0_lowered;
	[smem:$0x3FD2] =	sst s25  }
0xa6: {  	s4 =	sshll.u32 s26, $0x1;
	_ =	strace $0x80000049;
	[dreg:$0x1] =	wrdreg $0xFFFFFFFF  }
0xa7: {  	s28 =	simm.s32 $_size_execute0_lowered;
	s2 =	sadd.s32 s2, s4;
	[dreg:$0x0] =	wrdreg $0x0  }
0xa8: {  	s4 =	sshll.u32 s28, $0x1;
	[dreg:$0x2] =	wrdreg s2  }
0xa9: {  	[dreg:$0x3] =	wrdreg s4  }
0xaa: {  	[dreg:$0x4] =	wrdreg $0xC0  }
0xab: {  	_ =	task [dreg:s6], $0x5FFFF  }
0xac: {  	[dreg:$0x1] =	wrdreg $0xFFFFFFFF  }
0xad: {  	[dreg:$0x0] =	wrdreg $0x60  }
0xae: {  	[dreg:$0x2] =	wrdreg s24  }
0xaf: {  	[dreg:$0x3] =	wrdreg $0x29000  }
0xb0: {  	[dreg:$0x4] =	wrdreg $0x9  }
0xb1: {  	_ =	task.clear_ibuf [dreg:s6], $0x5FFFF;
	_ =	strace $0x90000049  }
0xb2: {  	s29 =	simm.s32 $0x9;
	_ =	strace $0x8000004B  }
0xb3: {  	_ =	swait.ge [sflag:s29], $0x1  }
0xb4: {  	[sflag:s29] =	ssyncadd.s32 $0xFFFFFFFF  }
0xb5: {  	_ =	strace $0x9000004B  }
0xb6: {  	_ =	sfence  }
0xb7: {  	s30 =	sld [smem:$0x0];
	_ =	sdelay $0x2  }
0xb8: {  	s31 =	sshll.u32 s1, $0xD;
	s1 =	sshrl.u32 s1, $0x2  }
0xb9: {  	s3 =	sand.u32 $0x4000, s31;
	s1 =	sadd.s32 s1, s30  }
0xba: {  	s0 =	sor.u32 s3, s0;
	s1 =	sshll.u32 s1, $0x11  }
0xbb: {  	s0 =	sor.u32 s1, s0  }
0xbc: {  	s0 =	sadd.s32 $0x8F2B, s0  }
0xbd: {  	[sflag:s0] =	ssyncadd.remote.s32 $0x1  }
0xbe: {  	_ =	sfence.sel $0xFFFF  }
0xbf: {  	[dreg:$0x0] =	wrdreg $0xFFFFFFFF;
	(pc) =	sbr.abs _section_cstart, $3  }
0xc0: {  	[dreg:$0x1] =	wrdreg $0xFFFFFFFF  }
0xc1: {  	_ =	task.clear_ibuf [dreg:s6], $0x2FFFF;
	_ =	strace $0x9FFFFFFF  }
0xc2: {  	(tm) =	ssettm $0x7FFFFFFF  }
0xc3: {  	_ =	shalt  }
tec
execute0_lowered:
.L_overlay_start_1:
0x0: {  	(tag) =	ssettag $0x1  }
0x1: {  	s6 =	rddreg [dreg:$0x0];
	s0 =	srdreg.scid  }
0x2: {  	s2 =	rddreg [dreg:$0x1];
	s1 =	stileid.u32  }
0x3: {  	s3 =	simm.s32 $0x0;
	s12 =	simm.s32 $0x8FE00;
	s14 =	simm.s32 $0x50  }
0x4: {  	s15 =	simm.s32 $0x100;
	s16 =	simm.s32 $0x1;
	s7 =	smul.u32 $0x2710, s1  }
0x5: {  	s5 =	sand.u32 $0x1, s0;
	s0 =	rddreg [dreg:$0x2];
	s8 =	smul.u32 $0x50000, s1  }
0x6: {  	s17 =	simm.s32 $0x0;
	[smem:$0x7FF] =	sst s3;
	s11 =	smul.u32 $0x2800, s1  }
0x7: {  	s30 =	sshll.u32 s1, $0x6;
	s4 =	smul.u32 $0x27100, s5;
	s9 =	ssub.s32 $0x2, s5  }
0x8: {  	_ =	strace $0x8000004A;
	p0 =	seq.s32 s5, $0x1;
	s29 =	sshrl.u32 s9, $0x1  }
0x9: {  	s8 =	sshrl.u32 s8, $0x2;
	s12 =	simm.s32 @!p0 $0x67E00;
	s7 =	sadd.s32 s7, s4  }
0xa: {  	s4 =	sadd.s32 $0x17E00, s6;
	s13 =	sadd.s32 s8, s2;
	s31 =	sadd.s32 s12, s6  }
0xb: {  	s12 =	simm.s32 $0x2;
	s7 =	sshrl.u32 s7, $0x3;
	s5 =	sadd.s32 s4, s11  }
0xc: {  	s8 =	sadd.s32 s31, s11;
	s11 =	sshrl.u32 s13, $0x3;
	s13 =	simm.s32 $0x80  }
0xd: {  	s10 =	sadd.s32 s7, s6;
	s7 =	ssub.s32 s9, s29;
	s6 =	sor.u32 $0x1C02, s30  }
0xe: {  	s7 =	smax.u32 s7, $0x1;
	s9 =	sadd.s32 $0xE000, s10;
	s10 =	sadd.s32 $0x4200, s10  }
.LBB2_1:
0xf: {  	[spmem:s11], [sflag:s6] =	dma.local [hbm:s5], $0x2800  }
0x10: {  	_ =	swait.ge [sflag:s12], $0x2800  }
0x11: {  	[sflag:s12] =	ssyncset.done $0x0  }
0x12: {  	[sflag:s12] =	ssyncadd.s32 $0xFFFFD800  }
0x13: {  	s18 =	sadd.s32 $0x0, s10;
	[bflag:$0x0] =	sbarrier.arrive $0xFFFF  }
0x14: {  	[tilespmem:s3], [sflag:$0x2] =	stream.linear.gather [hbm4b:s18+s3], $0x50, $0x38;
	[tilespmem:$0x16900] =	vst v63  }
0x15: {  	_ =	swait.ge [sflag:s12], $0x50  }
0x16: {  	[sflag:s12] =	ssyncset.done $0x0  }
0x17: {  	s31 =	sadd.s32 $0x0, s9;
	[sflag:s12] =	ssyncadd.s32 $0xFFFFFFB0  }
0x18: {  	[tilespmem:s13], [sflag:$0x2] =	stream.linear.gather [hbm4b:s31+s3], $0x50, $0x38;
	[tilespmem:$0x16900] =	vst v63  }
0x19: {  	_ =	swait.ge [sflag:s12], $0x50  }
0x1a: {  	[sflag:s12] =	ssyncset.done $0x0  }
0x1b: {  	[sflag:s12] =	ssyncadd.s32 $0xFFFFFFB0  }
0x1c: {  	[tilespmem:s15], [sflag:$0x1] =	stream.indirect.gather [hbm4b:s4+s14], $0x80, s3, s14, $0xb8;
	[tilespmem:$0x16900] =	vst v63  }
0x1d: {  	_ =	swait.ge [sflag:s16], $0x2800  }
0x1e: {  	[sflag:s16] =	ssyncset.done $0x0  }
0x1f: {  	[sflag:s16] =	ssyncadd.s32 $0xFFFFD800  }
0x20: {  	[spmem:s2] =	stream.indirect.scatter.add.f32 [tilespmem:s15], [sflag:$0x2], $0x80, s13, s14, $0xb8;
	[tilespmem:$0x16900] =	vst v63  }
0x21: {  	_ =	swait.ge [sflag:s12], $0x2800  }
0x22: {  	s19 =	simm.s32 $0x14;
	s18 =	simm.s32 $0xA;
	[sflag:s12] =	ssyncset.done $0x0  }
.LBB2_2:
0x23: {  	s20 =	sadd.s32 s18, s10  }
0x24: {  	[sflag:s12] =	ssyncadd.s32 $0xFFFFD800;
	s21 =	smov.u32 s19;
	s22 =	sadd.s32 $0xA, s19  }
0x25: {  	[tilespmem:s3], [sflag:$0x2] =	stream.linear.gather [hbm4b:s20+s3], $0x50, $0x38;
	[tilespmem:$0x16900] =	vst v63  }
0x26: {  	p0 =	sne.s32 s19, $0x4D8;
	_ =	swait.ge [sflag:s12], $0x50  }
0x27: {  	[sflag:s12] =	ssyncset.done $0x0  }
0x28: {  	s19 =	sadd.s32 s18, s9;
	s18 =	smov.u32 s21;
	[sflag:s12] =	ssyncadd.s32 $0xFFFFFFB0  }
0x29: {  	[tilespmem:s13], [sflag:$0x2] =	stream.linear.gather [hbm4b:s19+s3], $0x50, $0x38;
	[tilespmem:$0x16900] =	vst v63  }
0x2a: {  	_ =	swait.ge [sflag:s12], $0x50  }
0x2b: {  	[sflag:s12] =	ssyncset.done $0x0  }
0x2c: {  	[sflag:s12] =	ssyncadd.s32 $0xFFFFFFB0  }
0x2d: {  	[tilespmem:s15], [sflag:$0x1] =	stream.indirect.gather [hbm4b:s4+s14], $0x80, s3, s14, $0xb8;
	[tilespmem:$0x16900] =	vst v63  }
0x2e: {  	_ =	swait.ge [sflag:s16], $0x2800  }
.Ltmp0:
0x2f: {  	[sflag:s16] =	ssyncset.done $0x0;
	(pc) =	sbr.rel @p0 .LBB2_2-.Ltmp0, $4  }
0x30: {  	[sflag:s16] =	ssyncadd.s32 $0xFFFFD800  }
0x31: {  	[spmem:s2] =	stream.indirect.scatter.add.f32 [tilespmem:s15], [sflag:$0x2], $0x80, s13, s14, $0xb8;
	[tilespmem:$0x16900] =	vst v63  }
0x32: {  	_ =	swait.ge [sflag:s12], $0x2800  }
0x33: {  	s19 =	smov.u32 s22;
	[sflag:s12] =	ssyncset.done $0x0  }
0x34: {  	s19 =	sadd.s32 s18, s10;
	[sflag:s12] =	ssyncadd.s32 $0xFFFFD800  }
0x35: {  	[tilespmem:s3], [sflag:$0x2] =	stream.linear.gather [hbm4b:s19+s3], $0x50, $0x38;
	[tilespmem:$0x16900] =	vst v63  }
0x36: {  	_ =	swait.ge [sflag:s12], $0x50  }
0x37: {  	[sflag:s12] =	ssyncset.done $0x0  }
0x38: {  	s31 =	sadd.s32 s18, s9;
	[sflag:s12] =	ssyncadd.s32 $0xFFFFFFB0  }
0x39: {  	[tilespmem:s13], [sflag:$0x2] =	stream.linear.gather [hbm4b:s31+s3], $0x50, $0x38;
	[tilespmem:$0x16900] =	vst v63  }
0x3a: {  	_ =	swait.ge [sflag:s12], $0x50  }
0x3b: {  	[sflag:s12] =	ssyncset.done $0x0  }
0x3c: {  	[sflag:s12] =	ssyncadd.s32 $0xFFFFFFB0  }
0x3d: {  	[tilespmem:s15], [sflag:$0x1] =	stream.indirect.gather [hbm4b:s4+s14], $0x80, s3, s14, $0xb8;
	[tilespmem:$0x16900] =	vst v63  }
0x3e: {  	_ =	swait.ge [sflag:s16], $0x2800  }
0x3f: {  	[sflag:s16] =	ssyncset.done $0x0  }
0x40: {  	[sflag:s16] =	ssyncadd.s32 $0xFFFFD800  }
0x41: {  	[spmem:s2] =	stream.indirect.scatter.add.f32 [tilespmem:s15], [sflag:$0x2], $0x80, s13, s14, $0xb8;
	[tilespmem:$0x16900] =	vst v63  }
0x42: {  	_ =	swait.ge [sflag:s12], $0x2800  }
0x43: {  	s17 =	sadd.s32 $0x1, s17;
	[sflag:s12] =	ssyncset.done $0x0  }
0x44: {  	p0 =	sne.s32 s17, s7;
	[sflag:s12] =	ssyncadd.s32 $0xFFFFD800  }
.Ltmp1:
0x45: {  	[bflag:$0x0] =	sbarrier.arrive $0xFFFF;
	(pc) =	sbr.rel @p0 .LBB2_1-.Ltmp1, $4  }
0x46: {  	[hbm:s8], [sflag:s6] =	dma.local [spmem:s11], $0x2800  }
0x47: {  	_ =	swait.ge [sflag:s12], $0x2800  }
0x48: {  	[sflag:s12] =	ssyncset.done $0x0  }
0x49: {  	[sflag:s12] =	ssyncadd.s32 $0xFFFFD800  }
0x4a: {  	_ =	sfence.sel $0x180000  }
0x4b: {  	[bflag:$0x0] =	sbarrier.arrive $0xFFFF  }
0x4c: {  	p0 =	sne.s32 s1, $0x0;
	_ =	strace $0x9000004A  }
0x4d: {  	s0 =	sadd.s32 @!p0 $0x100000, s0;
	[bflag:$0x2] =	sbarrier.arrive $0xFFFF  }
0x4e: {  	[sflag:s0] =	ssyncadd.tile.s32 @!p0 $0x1;
	_ =	shalt  }
.Lfunc_end2:
_tile_overlayer_lowered:
.L_overlay_start_2:
0x4f: {  	(tag) =	ssettag $0x2  }
0x50: {  	s0 =	rddreg [dreg:$0x0];
	s2 =	stileid.u32  }
0x51: {  	s1 =	rddreg [dreg:$0x1];
	p0 =	sne.s32 s2, $0x0  }
0x52: {  	s3 =	rddreg [dreg:$0x2];
	[bflag:$0x3] =	sbarrier.arrive $0xFFFF;
	s2 =	simm.s32 @!p0 $0x1C02  }
0x53: {  	[timem:s3], [sflag:s2] =	dma.local @!p0 [hbm:s0], s1  }
0x54: {  	s0 =	simm.s32 @!p0 $0x2  }
0x55: {  	_ =	swait.ge @!p0 [sflag:s0], s1  }
0x56: {  	s1 =	ssub.s32 @!p0 $0x0, s1;
	[sflag:s0] =	ssyncset.done @!p0 $0x0  }
0x57: {  	[sflag:s0] =	ssyncadd.s32 @!p0 s1  }
0x58: {  	[bflag:$0x3] =	sbarrier.arrive $0xFFFF  }
0x59: {  	_ =	shalt  }

// kernel: kernel.16.cloned.1.call-start
scs
__scs_entry_jumppad:
0x0: {  	(pc) =	sbr.rel $0x88, $3  }
0x1: {  	(tag) =	ssettag $0x0;
	lr =	simm.s32 $0x1  }
0x2: {  	[smem:$0x3F96] =	sst lr;
	_ =	strace $0xD0000000  }
0x3: {  	_ = 	snop  }
0x4: {  	_ = 	snop  }
0x5: {  	_ = 	snop  }
0x6: {  	_ = 	snop  }
0x7: {  	_ = 	snop  }
__scs_overlays_trampoline_lowered:
0x8: {  	[smem:$0x3FA5] =	sst s0  }
0x9: {  	[smem:$0x3FA6] =	sst s1  }
0xa: {  	[smem:$0x3FA7] =	sst s2  }
0xb: {  	[smem:$0x3FA8] =	sst s3  }
0xc: {  	[smem:$0x3FA9] =	sst s4  }
0xd: {  	[smem:$0x3FAA] =	sst s5  }
0xe: {  	[smem:$0x3FAB] =	sst s6  }
0xf: {  	[smem:$0x3FAC] =	sst s7  }
0x10: {  	[smem:$0x3FAD] =	sst s8  }
0x11: {  	[smem:$0x3FAE] =	sst s9;
	s0 =	simm.s32 @!p0 $0x0  }
0x12: {  	s1 =	sld [smem:$0x3F94];
	s0 =	simm.s32 @p0 $0x1  }
0x13: {  	[smem:$0x3FAF] =	sst s0;
	s0 =	simm.s32 @!p1 $0x0  }
0x14: {  	s2 =	sld [smem:$0x3F93];
	s0 =	simm.s32 @p1 $0x1  }
0x15: {  	[smem:$0x3FB0] =	sst s0;
	s0 =	simm.s32 @!p2 $0x0  }
0x16: {  	s3 =	sld [smem:$0x3FDB];
	s0 =	simm.s32 @p2 $0x1  }
0x17: {  	s4 =	simm.s32 $0x1BF5;
	[smem:$0x3FB2] =	sst s0  }
0x18: {  	s0 =	sld [smem:$0x3F95];
	_ =	swait.ge [sflag:s4], $0x0  }
0x19: {  	s7 =	sld [smem:$0x3F96]  }
0x1a: {  	s8 =	sadd.s32 $0xFFFFE003, lr  }
0x1b: {  	s9 =	sadd.s32 $0xFFFFFEF7, lr;
	s5 =	simm.s32 $0xFFFFFFFF;
	p2 =	slt.u32 s8, $0xFFFFF086  }
0x1c: {  	p1 =	slt.u32 s9, $0xF7A;
	s5 =	simm.s32 @!p2 $0x0  }
0x1d: {  	s5 =	simm.s32 @p1 $0x1;
	p0 =	seq.s32 s7, s2  }
0x1e: {  	s7 =	smul.u32 @!p0 $0xF7A, s2;
	p2 =	seq.s32 @!p0 s5, $0x0  }
0x1f: {  	s9 =	smul.u32 $0xF7A, s1;
	s8 =	simm.s32 @!p0 $0x1BF5;
	p2 =	por !p2, p0  }
0x20: {  	[sflag:s8] =	ssyncset.s32 @!p0 $0xFFFFF086;
	s6 =	sadd.s32 @!p0 s3, s7;
	s7 =	simm.s32 @!p0 $0x108  }
0x21: {  	s3 =	sadd.s32 s3, s9;
	s6 =	sadd.s32 @!p0 $0x88, s6;
	s7 =	simm.s32 @p2 $0x1082  }
0x22: {  	[simem:s7], [sflag:s8] =	dma.local @!p0 [hbm:s6], $0xF7A  }
0x23: {  	s9 =	sor.u32 $0xD0000000, s2;
	s6 =	simm.s32 $0x108;
	_ =	swait.ge @!p0 [sflag:s8], $0x0  }
0x24: {  	s3 =	sadd.s32 $0x88, s3;
	s6 =	simm.s32 @!p1 $0x1082;
	[sflag:s4] =	ssyncset.s32 $0xFFFFF086  }
0x25: {  	[simem:s6], [sflag:s4] =	dma.local [hbm:s3], $0xF7A  }
0x26: {  	[smem:$0x3F96] =	sst s1;
	(tag) =	ssettag s2;
	_ =	strace s9  }
0x27: {  	s1 =	sld [smem:$0x3FA6]  }
0x28: {  	s2 =	sld [smem:$0x3FA7]  }
0x29: {  	s4 =	sld [smem:$0x3FA9]  }
0x2a: {  	p0 =	seq.s32 s5, $0x0;
	s5 =	sld [smem:$0x3FAA]  }
0x2b: {  	s6 =	sld [smem:$0x3FAB]  }
0x2c: {  	s7 =	sld [smem:$0x3FAC]  }
0x2d: {  	s3 =	simm.s32 $0x108;
	s8 =	sld [smem:$0x3FAD]  }
0x2e: {  	s3 =	simm.s32 @!p0 $0x1082;
	s9 =	sld [smem:$0x3FAE]  }
0x2f: {  	lr =	sadd.s32 s0, s3;
	s0 =	sld [smem:$0x3FA5]  }
0x30: {  	s3 =	sld [smem:$0x3FA8]  }
0x31: {  	[smem:$0x3FB1] =	sst s10  }
0x32: {  	s10 =	sld [smem:$0x3FAF];
	_ =	sdelay $0x3  }
0x33: {  	p0 =	seq.s32 s10, $0x1;
	s10 =	sld [smem:$0x3FB1];
	_ =	sdelay $0x3  }
0x34: {  	[smem:$0x3FB1] =	sst s10  }
0x35: {  	s10 =	sld [smem:$0x3FB0];
	_ =	sdelay $0x3  }
0x36: {  	p1 =	seq.s32 s10, $0x1;
	s10 =	sld [smem:$0x3FB1];
	_ =	sdelay $0x3  }
0x37: {  	[smem:$0x3FB1] =	sst s10  }
0x38: {  	s10 =	sld [smem:$0x3FB2]  }
0x39: {  	_ = 	snop;
	(pc) =	sbr.ind lr, $3  }
0x3a: {  	_ = 	snop  }
0x3b: {  	_ = 	snop  }
0x3c: {  	p2 =	seq.s32 s10, $0x1;
	s10 =	sld [smem:$0x3FB1]  }
0x3d: {  	_ =	shalt  }
0x3e: {  	_ =	shalt  }
0x3f: {  	_ =	shalt  }
0x40: {  	_ =	shalt  }
0x41: {  	_ =	shalt  }
0x42: {  	_ =	shalt  }
0x43: {  	_ =	shalt  }
0x44: {  	_ =	shalt  }
0x45: {  	_ =	shalt  }
0x46: {  	_ =	shalt  }
0x47: {  	_ =	shalt  }
0x48: {  	_ =	shalt  }
0x49: {  	_ =	shalt  }
0x4a: {  	_ =	shalt  }
0x4b: {  	_ =	shalt  }
0x4c: {  	_ =	shalt  }
0x4d: {  	_ =	shalt  }
0x4e: {  	_ =	shalt  }
0x4f: {  	_ =	shalt  }
0x50: {  	_ =	shalt  }
0x51: {  	_ =	shalt  }
0x52: {  	_ =	shalt  }
0x53: {  	_ =	shalt  }
0x54: {  	_ =	shalt  }
0x55: {  	_ =	shalt  }
0x56: {  	_ =	shalt  }
0x57: {  	_ =	shalt  }
0x58: {  	_ =	shalt  }
0x59: {  	_ =	shalt  }
0x5a: {  	_ =	shalt  }
0x5b: {  	_ =	shalt  }
0x5c: {  	_ =	shalt  }
0x5d: {  	_ =	shalt  }
0x5e: {  	_ =	shalt  }
0x5f: {  	_ =	shalt  }
0x60: {  	_ =	shalt  }
0x61: {  	_ =	shalt  }
0x62: {  	_ =	shalt  }
0x63: {  	_ =	shalt  }
0x64: {  	_ =	shalt  }
0x65: {  	_ =	shalt  }
0x66: {  	_ =	shalt  }
0x67: {  	_ =	shalt  }
0x68: {  	_ =	shalt  }
0x69: {  	_ =	shalt  }
0x6a: {  	_ =	shalt  }
0x6b: {  	_ =	shalt  }
0x6c: {  	_ =	shalt  }
0x6d: {  	_ =	shalt  }
0x6e: {  	_ =	shalt  }
0x6f: {  	_ =	shalt  }
0x70: {  	_ =	shalt  }
0x71: {  	_ =	shalt  }
0x72: {  	_ =	shalt  }
0x73: {  	_ =	shalt  }
0x74: {  	_ =	shalt  }
0x75: {  	_ =	shalt  }
0x76: {  	_ =	shalt  }
0x77: {  	_ =	shalt  }
0x78: {  	_ =	shalt  }
0x79: {  	_ =	shalt  }
0x7a: {  	_ =	shalt  }
0x7b: {  	_ =	shalt  }
0x7c: {  	_ =	shalt  }
0x7d: {  	_ =	shalt  }
0x7e: {  	_ =	shalt  }
0x7f: {  	_ =	shalt  }
0x80: {  	_ =	shalt  }
0x81: {  	_ =	shalt  }
0x82: {  	_ =	shalt  }
0x83: {  	_ =	shalt  }
0x84: {  	_ =	shalt  }
0x85: {  	_ =	shalt  }
0x86: {  	_ =	shalt  }
0x87: {  	_ =	shalt  }
.Lfunc_end0:
.L_simem_size_0:
called_computation.2_lowered:
.L_overlay_start_0:
0x88: {  	s2 =	sld [smem:$0x3FD9]  }
0x89: {  	s3 =	sld [smem:$0x3FFE];
	_ =	sdelay $0x1  }
0x8a: {  	s1 =	srdreg.scid  }
0x8b: {  	s0 =	sand.u32 $0x1, s1  }
0x8c: {  	s16 =	sshll.u32 s0, $0xA;
	s2 =	sadd.s32 s3, s2  }
0x8d: {  	s2 =	sadd.s32 s2, s16  }
0x8e: {  	[smem:$0x3FBD] =	sst s2  }
0x8f: {  	_ = 	snop  }
0x90: {  	(tm) =	ssettm $0x1  }
0x91: {  	s17 =	sld [smem:$0x3FFB];
	_ =	sdelay $0x3  }
0x92: {  	_ =	strace s17  }
0x93: {  	s2 =	sld [smem:$0x3FFC];
	_ =	sdelay $0x3  }
0x94: {  	_ =	strace s2  }
0x95: {  	s2 =	sld [smem:$0x3FFD];
	_ =	sdelay $0x3  }
0x96: {  	_ =	strace s2  }
0x97: {  	_ =	strace $0x8FFFFFFF  }
0x98: {  	s18 =	sld [smem:$0x3FDB];
	_ =	sdelay $0x1  }
0x99: {  	s19 =	simm.s32 $_scs_section_size  }
0x9a: {  	s4 =	simm.s32 $_size__tile_overlayer_lowered;
	s5 =	simm.s32 $_tile_overlayer_lowered  }
0x9b: {  	s22 =	simm.s32 $0x1BFF;
	s21 =	sshll.u32 s5, $0x1;
	s2 =	sadd.s32 s19, s18  }
0x9c: {  	s6 =	simm.s32 $0x0;
	s20 =	sshll.u32 s4, $0x1;
	s4 =	sadd.s32 s21, s2  }
0x9d: {  	[timem:s6], [sflag:s22] =	dma.local [hbm:s4], s20  }
0x9e: {  	_ =	swait.ge [sflag:s22], s20  }
0x9f: {  	s3 =	ssub.s32 $0x0, s20;
	[sflag:s22] =	ssyncset.done $0x0  }
0xa0: {  	[sflag:s22] =	ssyncadd.s32 s3;
	_ =	sdelay $0x1  }
0xa1: {  	s23 =	simm.s32 $0x1B8B  }
0xa2: {  	_ =	swait.ge [sflag:s23], $0x1  }
0xa3: {  	[sflag:s23] =	ssyncset.done $0x0  }
0xa4: {  	s25 =	simm.s32 $0x1B8E;
	s24 =	sld [smem:$0x3FFE];
	[sflag:s23] =	ssyncadd.s32 $0xFFFFFFFF  }
0xa5: {  	s26 =	simm.s32 $execute0_lowered;
	[smem:$0x3FD2] =	sst s25  }
0xa6: {  	s4 =	sshll.u32 s26, $0x1;
	_ =	strace $0x8000004C;
	[dreg:$0x1] =	wrdreg $0xFFFFFFFF  }
0xa7: {  	s28 =	simm.s32 $_size_execute0_lowered;
	s2 =	sadd.s32 s2, s4;
	[dreg:$0x0] =	wrdreg $0x0  }
0xa8: {  	s4 =	sshll.u32 s28, $0x1;
	[dreg:$0x2] =	wrdreg s2  }
0xa9: {  	[dreg:$0x3] =	wrdreg s4  }
0xaa: {  	[dreg:$0x4] =	wrdreg $0xC0  }
0xab: {  	_ =	task [dreg:s6], $0x5FFFF  }
0xac: {  	[dreg:$0x1] =	wrdreg $0xFFFFFFFF  }
0xad: {  	[dreg:$0x0] =	wrdreg $0x60  }
0xae: {  	[dreg:$0x2] =	wrdreg s24  }
0xaf: {  	[dreg:$0x3] =	wrdreg $0x29000  }
0xb0: {  	[dreg:$0x4] =	wrdreg $0x9  }
0xb1: {  	_ =	task.clear_ibuf [dreg:s6], $0x5FFFF;
	_ =	strace $0x9000004C  }
0xb2: {  	s29 =	simm.s32 $0x9;
	_ =	strace $0x8000004E  }
0xb3: {  	_ =	swait.ge [sflag:s29], $0x1  }
0xb4: {  	[sflag:s29] =	ssyncadd.s32 $0xFFFFFFFF  }
0xb5: {  	_ =	strace $0x9000004E  }
0xb6: {  	_ =	sfence  }
0xb7: {  	s30 =	sld [smem:$0x0];
	_ =	sdelay $0x2  }
0xb8: {  	s31 =	sshll.u32 s1, $0xD;
	s1 =	sshrl.u32 s1, $0x2  }
0xb9: {  	s3 =	sand.u32 $0x4000, s31;
	s1 =	sadd.s32 s1, s30  }
0xba: {  	s0 =	sor.u32 s3, s0;
	s1 =	sshll.u32 s1, $0x11  }
0xbb: {  	s0 =	sor.u32 s1, s0  }
0xbc: {  	s0 =	sadd.s32 $0x8F2B, s0  }
0xbd: {  	[sflag:s0] =	ssyncadd.remote.s32 $0x1  }
0xbe: {  	_ =	sfence.sel $0xFFFF  }
0xbf: {  	[dreg:$0x0] =	wrdreg $0xFFFFFFFF;
	(pc) =	sbr.abs _section_cstart, $3  }
0xc0: {  	[dreg:$0x1] =	wrdreg $0xFFFFFFFF  }
0xc1: {  	_ =	task.clear_ibuf [dreg:s6], $0x2FFFF;
	_ =	strace $0x9FFFFFFF  }
0xc2: {  	(tm) =	ssettm $0x7FFFFFFF  }
0xc3: {  	_ =	shalt  }
tec
execute0_lowered:
.L_overlay_start_1:
0x0: {  	(tag) =	ssettag $0x1  }
0x1: {  	s6 =	rddreg [dreg:$0x0];
	s0 =	srdreg.scid  }
0x2: {  	s2 =	rddreg [dreg:$0x1];
	s1 =	stileid.u32  }
0x3: {  	s3 =	simm.s32 $0x0;
	s12 =	simm.s32 $0x8FE00;
	s14 =	simm.s32 $0x50  }
0x4: {  	s15 =	simm.s32 $0x100;
	s16 =	simm.s32 $0x1;
	s7 =	smul.u32 $0x2710, s1  }
0x5: {  	s5 =	sand.u32 $0x1, s0;
	s0 =	rddreg [dreg:$0x2];
	s8 =	smul.u32 $0x50000, s1  }
0x6: {  	s17 =	simm.s32 $0x0;
	[smem:$0x7FF] =	sst s3;
	s11 =	smul.u32 $0x2800, s1  }
0x7: {  	s30 =	sshll.u32 s1, $0x6;
	s4 =	smul.u32 $0x27100, s5;
	s9 =	ssub.s32 $0x2, s5  }
0x8: {  	_ =	strace $0x8000004D;
	p0 =	seq.s32 s5, $0x1;
	s29 =	sshrl.u32 s9, $0x1  }
0x9: {  	s8 =	sshrl.u32 s8, $0x2;
	s12 =	simm.s32 @!p0 $0x67E00;
	s7 =	sadd.s32 s7, s4  }
0xa: {  	s4 =	sadd.s32 $0x17E00, s6;
	s13 =	sadd.s32 s8, s2;
	s31 =	sadd.s32 s12, s6  }
0xb: {  	s12 =	simm.s32 $0x2;
	s7 =	sshrl.u32 s7, $0x3;
	s5 =	sadd.s32 s4, s11  }
0xc: {  	s8 =	sadd.s32 s31, s11;
	s11 =	sshrl.u32 s13, $0x3;
	s13 =	simm.s32 $0x80  }
0xd: {  	s10 =	sadd.s32 s7, s6;
	s7 =	ssub.s32 s9, s29;
	s6 =	sor.u32 $0x1C02, s30  }
0xe: {  	s7 =	smax.u32 s7, $0x1;
	s9 =	sadd.s32 $0xE000, s10;
	s10 =	sadd.s32 $0x4200, s10  }
.LBB2_1:
0xf: {  	[spmem:s11], [sflag:s6] =	dma.local [hbm:s5], $0x2800  }
0x10: {  	_ =	swait.ge [sflag:s12], $0x2800  }
0x11: {  	[sflag:s12] =	ssyncset.done $0x0  }
0x12: {  	[sflag:s12] =	ssyncadd.s32 $0xFFFFD800  }
0x13: {  	s18 =	sadd.s32 $0x0, s10;
	[bflag:$0x0] =	sbarrier.arrive $0xFFFF  }
0x14: {  	[tilespmem:s3], [sflag:$0x2] =	stream.linear.gather [hbm4b:s18+s3], $0x50, $0x38;
	[tilespmem:$0x16900] =	vst v63  }
0x15: {  	_ =	swait.ge [sflag:s12], $0x50  }
0x16: {  	[sflag:s12] =	ssyncset.done $0x0  }
0x17: {  	s31 =	sadd.s32 $0x0, s9;
	[sflag:s12] =	ssyncadd.s32 $0xFFFFFFB0  }
0x18: {  	[tilespmem:s13], [sflag:$0x2] =	stream.linear.gather [hbm4b:s31+s3], $0x50, $0x38;
	[tilespmem:$0x16900] =	vst v63  }
0x19: {  	_ =	swait.ge [sflag:s12], $0x50  }
0x1a: {  	[sflag:s12] =	ssyncset.done $0x0  }
0x1b: {  	[sflag:s12] =	ssyncadd.s32 $0xFFFFFFB0  }
0x1c: {  	[tilespmem:s15], [sflag:$0x1] =	stream.indirect.gather [hbm4b:s4+s14], $0x80, s3, s14, $0xb8;
	[tilespmem:$0x16900] =	vst v63  }
0x1d: {  	_ =	swait.ge [sflag:s16], $0x2800  }
0x1e: {  	[sflag:s16] =	ssyncset.done $0x0  }
0x1f: {  	[sflag:s16] =	ssyncadd.s32 $0xFFFFD800  }
0x20: {  	[spmem:s2] =	stream.indirect.scatter.add.f32 [tilespmem:s15], [sflag:$0x2], $0x80, s13, s14, $0xb8;
	[tilespmem:$0x16900] =	vst v63  }
0x21: {  	_ =	swait.ge [sflag:s12], $0x2800  }
0x22: {  	s19 =	simm.s32 $0x14;
	s18 =	simm.s32 $0xA;
	[sflag:s12] =	ssyncset.done $0x0  }
.LBB2_2:
0x23: {  	s20 =	sadd.s32 s18, s10  }
0x24: {  	[sflag:s12] =	ssyncadd.s32 $0xFFFFD800;
	s21 =	smov.u32 s19;
	s22 =	sadd.s32 $0xA, s19  }
0x25: {  	[tilespmem:s3], [sflag:$0x2] =	stream.linear.gather [hbm4b:s20+s3], $0x50, $0x38;
	[tilespmem:$0x16900] =	vst v63  }
0x26: {  	p0 =	sne.s32 s19, $0x4D8;
	_ =	swait.ge [sflag:s12], $0x50  }
0x27: {  	[sflag:s12] =	ssyncset.done $0x0  }
0x28: {  	s19 =	sadd.s32 s18, s9;
	s18 =	smov.u32 s21;
	[sflag:s12] =	ssyncadd.s32 $0xFFFFFFB0  }
0x29: {  	[tilespmem:s13], [sflag:$0x2] =	stream.linear.gather [hbm4b:s19+s3], $0x50, $0x38;
	[tilespmem:$0x16900] =	vst v63  }
0x2a: {  	_ =	swait.ge [sflag:s12], $0x50  }
0x2b: {  	[sflag:s12] =	ssyncset.done $0x0  }
0x2c: {  	[sflag:s12] =	ssyncadd.s32 $0xFFFFFFB0  }
0x2d: {  	[tilespmem:s15], [sflag:$0x1] =	stream.indirect.gather [hbm4b:s4+s14], $0x80, s3, s14, $0xb8;
	[tilespmem:$0x16900] =	vst v63  }
0x2e: {  	_ =	swait.ge [sflag:s16], $0x2800  }
.Ltmp0:
0x2f: {  	[sflag:s16] =	ssyncset.done $0x0;
	(pc) =	sbr.rel @p0 .LBB2_2-.Ltmp0, $4  }
0x30: {  	[sflag:s16] =	ssyncadd.s32 $0xFFFFD800  }
0x31: {  	[spmem:s2] =	stream.indirect.scatter.add.f32 [tilespmem:s15], [sflag:$0x2], $0x80, s13, s14, $0xb8;
	[tilespmem:$0x16900] =	vst v63  }
0x32: {  	_ =	swait.ge [sflag:s12], $0x2800  }
0x33: {  	s19 =	smov.u32 s22;
	[sflag:s12] =	ssyncset.done $0x0  }
0x34: {  	s19 =	sadd.s32 s18, s10;
	[sflag:s12] =	ssyncadd.s32 $0xFFFFD800  }
0x35: {  	[tilespmem:s3], [sflag:$0x2] =	stream.linear.gather [hbm4b:s19+s3], $0x50, $0x38;
	[tilespmem:$0x16900] =	vst v63  }
0x36: {  	_ =	swait.ge [sflag:s12], $0x50  }
0x37: {  	[sflag:s12] =	ssyncset.done $0x0  }
0x38: {  	s31 =	sadd.s32 s18, s9;
	[sflag:s12] =	ssyncadd.s32 $0xFFFFFFB0  }
0x39: {  	[tilespmem:s13], [sflag:$0x2] =	stream.linear.gather [hbm4b:s31+s3], $0x50, $0x38;
	[tilespmem:$0x16900] =	vst v63  }
0x3a: {  	_ =	swait.ge [sflag:s12], $0x50  }
0x3b: {  	[sflag:s12] =	ssyncset.done $0x0  }
0x3c: {  	[sflag:s12] =	ssyncadd.s32 $0xFFFFFFB0  }
0x3d: {  	[tilespmem:s15], [sflag:$0x1] =	stream.indirect.gather [hbm4b:s4+s14], $0x80, s3, s14, $0xb8;
	[tilespmem:$0x16900] =	vst v63  }
0x3e: {  	_ =	swait.ge [sflag:s16], $0x2800  }
0x3f: {  	[sflag:s16] =	ssyncset.done $0x0  }
0x40: {  	[sflag:s16] =	ssyncadd.s32 $0xFFFFD800  }
0x41: {  	[spmem:s2] =	stream.indirect.scatter.add.f32 [tilespmem:s15], [sflag:$0x2], $0x80, s13, s14, $0xb8;
	[tilespmem:$0x16900] =	vst v63  }
0x42: {  	_ =	swait.ge [sflag:s12], $0x2800  }
0x43: {  	s17 =	sadd.s32 $0x1, s17;
	[sflag:s12] =	ssyncset.done $0x0  }
0x44: {  	p0 =	sne.s32 s17, s7;
	[sflag:s12] =	ssyncadd.s32 $0xFFFFD800  }
.Ltmp1:
0x45: {  	[bflag:$0x0] =	sbarrier.arrive $0xFFFF;
	(pc) =	sbr.rel @p0 .LBB2_1-.Ltmp1, $4  }
0x46: {  	[hbm:s8], [sflag:s6] =	dma.local [spmem:s11], $0x2800  }
0x47: {  	_ =	swait.ge [sflag:s12], $0x2800  }
0x48: {  	[sflag:s12] =	ssyncset.done $0x0  }
0x49: {  	[sflag:s12] =	ssyncadd.s32 $0xFFFFD800  }
0x4a: {  	_ =	sfence.sel $0x180000  }
0x4b: {  	[bflag:$0x0] =	sbarrier.arrive $0xFFFF  }
0x4c: {  	p0 =	sne.s32 s1, $0x0;
	_ =	strace $0x9000004D  }
0x4d: {  	s0 =	sadd.s32 @!p0 $0x100000, s0;
	[bflag:$0x2] =	sbarrier.arrive $0xFFFF  }
0x4e: {  	[sflag:s0] =	ssyncadd.tile.s32 @!p0 $0x1;
	_ =	shalt  }
.Lfunc_end2:
_tile_overlayer_lowered:
.L_overlay_start_2:
0x4f: {  	(tag) =	ssettag $0x2  }
0x50: {  	s0 =	rddreg [dreg:$0x0];
	s2 =	stileid.u32  }
0x51: {  	s1 =	rddreg [dreg:$0x1];
	p0 =	sne.s32 s2, $0x0  }
0x52: {  	s3 =	rddreg [dreg:$0x2];
	[bflag:$0x3] =	sbarrier.arrive $0xFFFF;
	s2 =	simm.s32 @!p0 $0x1C02  }
0x53: {  	[timem:s3], [sflag:s2] =	dma.local @!p0 [hbm:s0], s1  }
0x54: {  	s0 =	simm.s32 @!p0 $0x2  }
0x55: {  	_ =	swait.ge @!p0 [sflag:s0], s1  }
0x56: {  	s1 =	ssub.s32 @!p0 $0x0, s1;
	[sflag:s0] =	ssyncset.done @!p0 $0x0  }
0x57: {  	[sflag:s0] =	ssyncadd.s32 @!p0 s1  }
0x58: {  	[bflag:$0x3] =	sbarrier.arrive $0xFFFF  }
0x59: {  	_ =	shalt  }

// kernel: kernel.19.cloned.1.call-start
scs
__scs_entry_jumppad:
0x0: {  	(pc) =	sbr.rel $0x88, $3  }
0x1: {  	(tag) =	ssettag $0x0;
	lr =	simm.s32 $0x1  }
0x2: {  	[smem:$0x3F96] =	sst lr;
	_ =	strace $0xD0000000  }
0x3: {  	_ = 	snop  }
0x4: {  	_ = 	snop  }
0x5: {  	_ = 	snop  }
0x6: {  	_ = 	snop  }
0x7: {  	_ = 	snop  }
__scs_overlays_trampoline_lowered:
0x8: {  	[smem:$0x3FA5] =	sst s0  }
0x9: {  	[smem:$0x3FA6] =	sst s1  }
0xa: {  	[smem:$0x3FA7] =	sst s2  }
0xb: {  	[smem:$0x3FA8] =	sst s3  }
0xc: {  	[smem:$0x3FA9] =	sst s4  }
0xd: {  	[smem:$0x3FAA] =	sst s5  }
0xe: {  	[smem:$0x3FAB] =	sst s6  }
0xf: {  	[smem:$0x3FAC] =	sst s7  }
0x10: {  	[smem:$0x3FAD] =	sst s8  }
0x11: {  	[smem:$0x3FAE] =	sst s9;
	s0 =	simm.s32 @!p0 $0x0  }
0x12: {  	s1 =	sld [smem:$0x3F94];
	s0 =	simm.s32 @p0 $0x1  }
0x13: {  	[smem:$0x3FAF] =	sst s0;
	s0 =	simm.s32 @!p1 $0x0  }
0x14: {  	s2 =	sld [smem:$0x3F93];
	s0 =	simm.s32 @p1 $0x1  }
0x15: {  	[smem:$0x3FB0] =	sst s0;
	s0 =	simm.s32 @!p2 $0x0  }
0x16: {  	s3 =	sld [smem:$0x3FDB];
	s0 =	simm.s32 @p2 $0x1  }
0x17: {  	s4 =	simm.s32 $0x1BF5;
	[smem:$0x3FB2] =	sst s0  }
0x18: {  	s0 =	sld [smem:$0x3F95];
	_ =	swait.ge [sflag:s4], $0x0  }
0x19: {  	s7 =	sld [smem:$0x3F96]  }
0x1a: {  	s8 =	sadd.s32 $0xFFFFE003, lr  }
0x1b: {  	s9 =	sadd.s32 $0xFFFFFEF7, lr;
	s5 =	simm.s32 $0xFFFFFFFF;
	p2 =	slt.u32 s8, $0xFFFFF086  }
0x1c: {  	p1 =	slt.u32 s9, $0xF7A;
	s5 =	simm.s32 @!p2 $0x0  }
0x1d: {  	s5 =	simm.s32 @p1 $0x1;
	p0 =	seq.s32 s7, s2  }
0x1e: {  	s7 =	smul.u32 @!p0 $0xF7A, s2;
	p2 =	seq.s32 @!p0 s5, $0x0  }
0x1f: {  	s9 =	smul.u32 $0xF7A, s1;
	s8 =	simm.s32 @!p0 $0x1BF5;
	p2 =	por !p2, p0  }
0x20: {  	[sflag:s8] =	ssyncset.s32 @!p0 $0xFFFFF086;
	s6 =	sadd.s32 @!p0 s3, s7;
	s7 =	simm.s32 @!p0 $0x108  }
0x21: {  	s3 =	sadd.s32 s3, s9;
	s6 =	sadd.s32 @!p0 $0x88, s6;
	s7 =	simm.s32 @p2 $0x1082  }
0x22: {  	[simem:s7], [sflag:s8] =	dma.local @!p0 [hbm:s6], $0xF7A  }
0x23: {  	s9 =	sor.u32 $0xD0000000, s2;
	s6 =	simm.s32 $0x108;
	_ =	swait.ge @!p0 [sflag:s8], $0x0  }
0x24: {  	s3 =	sadd.s32 $0x88, s3;
	s6 =	simm.s32 @!p1 $0x1082;
	[sflag:s4] =	ssyncset.s32 $0xFFFFF086  }
0x25: {  	[simem:s6], [sflag:s4] =	dma.local [hbm:s3], $0xF7A  }
0x26: {  	[smem:$0x3F96] =	sst s1;
	(tag) =	ssettag s2;
	_ =	strace s9  }
0x27: {  	s1 =	sld [smem:$0x3FA6]  }
0x28: {  	s2 =	sld [smem:$0x3FA7]  }
0x29: {  	s4 =	sld [smem:$0x3FA9]  }
0x2a: {  	p0 =	seq.s32 s5, $0x0;
	s5 =	sld [smem:$0x3FAA]  }
0x2b: {  	s6 =	sld [smem:$0x3FAB]  }
0x2c: {  	s7 =	sld [smem:$0x3FAC]  }
0x2d: {  	s3 =	simm.s32 $0x108;
	s8 =	sld [smem:$0x3FAD]  }
0x2e: {  	s3 =	simm.s32 @!p0 $0x1082;
	s9 =	sld [smem:$0x3FAE]  }
0x2f: {  	lr =	sadd.s32 s0, s3;
	s0 =	sld [smem:$0x3FA5]  }
0x30: {  	s3 =	sld [smem:$0x3FA8]  }
0x31: {  	[smem:$0x3FB1] =	sst s10  }
0x32: {  	s10 =	sld [smem:$0x3FAF];
	_ =	sdelay $0x3  }
0x33: {  	p0 =	seq.s32 s10, $0x1;
	s10 =	sld [smem:$0x3FB1];
	_ =	sdelay $0x3  }
0x34: {  	[smem:$0x3FB1] =	sst s10  }
0x35: {  	s10 =	sld [smem:$0x3FB0];
	_ =	sdelay $0x3  }
0x36: {  	p1 =	seq.s32 s10, $0x1;
	s10 =	sld [smem:$0x3FB1];
	_ =	sdelay $0x3  }
0x37: {  	[smem:$0x3FB1] =	sst s10  }
0x38: {  	s10 =	sld [smem:$0x3FB2]  }
0x39: {  	_ = 	snop;
	(pc) =	sbr.ind lr, $3  }
0x3a: {  	_ = 	snop  }
0x3b: {  	_ = 	snop  }
0x3c: {  	p2 =	seq.s32 s10, $0x1;
	s10 =	sld [smem:$0x3FB1]  }
0x3d: {  	_ =	shalt  }
0x3e: {  	_ =	shalt  }
0x3f: {  	_ =	shalt  }
0x40: {  	_ =	shalt  }
0x41: {  	_ =	shalt  }
0x42: {  	_ =	shalt  }
0x43: {  	_ =	shalt  }
0x44: {  	_ =	shalt  }
0x45: {  	_ =	shalt  }
0x46: {  	_ =	shalt  }
0x47: {  	_ =	shalt  }
0x48: {  	_ =	shalt  }
0x49: {  	_ =	shalt  }
0x4a: {  	_ =	shalt  }
0x4b: {  	_ =	shalt  }
0x4c: {  	_ =	shalt  }
0x4d: {  	_ =	shalt  }
0x4e: {  	_ =	shalt  }
0x4f: {  	_ =	shalt  }
0x50: {  	_ =	shalt  }
0x51: {  	_ =	shalt  }
0x52: {  	_ =	shalt  }
0x53: {  	_ =	shalt  }
0x54: {  	_ =	shalt  }
0x55: {  	_ =	shalt  }
0x56: {  	_ =	shalt  }
0x57: {  	_ =	shalt  }
0x58: {  	_ =	shalt  }
0x59: {  	_ =	shalt  }
0x5a: {  	_ =	shalt  }
0x5b: {  	_ =	shalt  }
0x5c: {  	_ =	shalt  }
0x5d: {  	_ =	shalt  }
0x5e: {  	_ =	shalt  }
0x5f: {  	_ =	shalt  }
0x60: {  	_ =	shalt  }
0x61: {  	_ =	shalt  }
0x62: {  	_ =	shalt  }
0x63: {  	_ =	shalt  }
0x64: {  	_ =	shalt  }
0x65: {  	_ =	shalt  }
0x66: {  	_ =	shalt  }
0x67: {  	_ =	shalt  }
0x68: {  	_ =	shalt  }
0x69: {  	_ =	shalt  }
0x6a: {  	_ =	shalt  }
0x6b: {  	_ =	shalt  }
0x6c: {  	_ =	shalt  }
0x6d: {  	_ =	shalt  }
0x6e: {  	_ =	shalt  }
0x6f: {  	_ =	shalt  }
0x70: {  	_ =	shalt  }
0x71: {  	_ =	shalt  }
0x72: {  	_ =	shalt  }
0x73: {  	_ =	shalt  }
0x74: {  	_ =	shalt  }
0x75: {  	_ =	shalt  }
0x76: {  	_ =	shalt  }
0x77: {  	_ =	shalt  }
0x78: {  	_ =	shalt  }
0x79: {  	_ =	shalt  }
0x7a: {  	_ =	shalt  }
0x7b: {  	_ =	shalt  }
0x7c: {  	_ =	shalt  }
0x7d: {  	_ =	shalt  }
0x7e: {  	_ =	shalt  }
0x7f: {  	_ =	shalt  }
0x80: {  	_ =	shalt  }
0x81: {  	_ =	shalt  }
0x82: {  	_ =	shalt  }
0x83: {  	_ =	shalt  }
0x84: {  	_ =	shalt  }
0x85: {  	_ =	shalt  }
0x86: {  	_ =	shalt  }
0x87: {  	_ =	shalt  }
.Lfunc_end0:
.L_simem_size_0:
called_computation.3_lowered:
.L_overlay_start_0:
0x88: {  	s2 =	sld [smem:$0x3FD9]  }
0x89: {  	s3 =	sld [smem:$0x3FFE];
	_ =	sdelay $0x1  }
0x8a: {  	s1 =	srdreg.scid  }
0x8b: {  	s0 =	sand.u32 $0x1, s1  }
0x8c: {  	s17 =	sshll.u32 s0, $0xA;
	s2 =	sadd.s32 s3, s2  }
0x8d: {  	s2 =	sadd.s32 s2, s17  }
0x8e: {  	[smem:$0x3FBD] =	sst s2  }
0x8f: {  	_ = 	snop  }
0x90: {  	s2 =	sld [smem:$0x3FC7];
	(tm) =	ssettm $0x1  }
0x91: {  	s18 =	sld [smem:$0x3FFB];
	_ =	sdelay $0x3  }
0x92: {  	_ =	strace s18  }
0x93: {  	s3 =	sld [smem:$0x3FFC];
	_ =	sdelay $0x3  }
0x94: {  	_ =	strace s3  }
0x95: {  	s3 =	sld [smem:$0x3FFD];
	_ =	sdelay $0x3  }
0x96: {  	_ =	strace s3  }
0x97: {  	_ =	strace $0x8FFFFFFF  }
0x98: {  	s19 =	sld [smem:$0x3FDB];
	_ =	sdelay $0x1  }
0x99: {  	s4 =	simm.s32 $_scs_section_size  }
0x9a: {  	s5 =	simm.s32 $_size__tile_overlayer_lowered;
	s6 =	simm.s32 $_tile_overlayer_lowered  }
0x9b: {  	s22 =	simm.s32 $0x1BFF;
	s21 =	sshll.u32 s6, $0x1;
	s3 =	sadd.s32 s4, s19  }
0x9c: {  	s7 =	simm.s32 $0x0;
	s20 =	sshll.u32 s5, $0x1;
	s5 =	sadd.s32 s21, s3  }
0x9d: {  	[timem:s7], [sflag:s22] =	dma.local [hbm:s5], s20  }
0x9e: {  	_ =	swait.ge [sflag:s22], s20  }
0x9f: {  	s4 =	ssub.s32 $0x0, s20;
	[sflag:s22] =	ssyncset.done $0x0  }
0xa0: {  	[sflag:s22] =	ssyncadd.s32 s4;
	_ =	sdelay $0x1  }
0xa1: {  	s23 =	simm.s32 $0x1B8B  }
0xa2: {  	_ =	swait.ge [sflag:s23], $0x1  }
0xa3: {  	[sflag:s23] =	ssyncset.done $0x0  }
0xa4: {  	s25 =	simm.s32 $0x1B8E;
	s24 =	sld [smem:$0x3FFE];
	[sflag:s23] =	ssyncadd.s32 $0xFFFFFFFF  }
0xa5: {  	s26 =	simm.s32 $execute0_lowered;
	[smem:$0x3FD2] =	sst s25  }
0xa6: {  	s5 =	sshll.u32 s26, $0x1;
	_ =	strace $0x8000004F;
	[dreg:$0x1] =	wrdreg $0xFFFFFFFF  }
0xa7: {  	s28 =	simm.s32 $_size_execute0_lowered;
	s3 =	sadd.s32 s3, s5;
	[dreg:$0x0] =	wrdreg $0x0  }
0xa8: {  	s5 =	sshll.u32 s28, $0x1;
	[dreg:$0x2] =	wrdreg s3  }
0xa9: {  	[dreg:$0x3] =	wrdreg s5  }
0xaa: {  	[dreg:$0x4] =	wrdreg $0xC0  }
0xab: {  	_ =	task [dreg:s7], $0x5FFFF  }
0xac: {  	[dreg:$0x1] =	wrdreg $0xFFFFFFFF  }
0xad: {  	[dreg:$0x0] =	wrdreg $0x60  }
0xae: {  	[dreg:$0x2] =	wrdreg s24  }
0xaf: {  	[dreg:$0x3] =	wrdreg s2  }
0xb0: {  	[dreg:$0x4] =	wrdreg $0x9  }
0xb1: {  	_ =	task.clear_ibuf [dreg:s7], $0x5FFFF;
	_ =	strace $0x9000004F  }
0xb2: {  	s29 =	simm.s32 $0x9;
	_ =	strace $0x80000051  }
0xb3: {  	_ =	swait.ge [sflag:s29], $0x1  }
0xb4: {  	[sflag:s29] =	ssyncadd.s32 $0xFFFFFFFF  }
0xb5: {  	_ =	strace $0x90000051  }
0xb6: {  	_ =	sfence  }
0xb7: {  	s30 =	sld [smem:$0x0];
	_ =	sdelay $0x2  }
0xb8: {  	s31 =	sshll.u32 s1, $0xD;
	s1 =	sshrl.u32 s1, $0x2  }
0xb9: {  	s3 =	sand.u32 $0x4000, s31;
	s1 =	sadd.s32 s1, s30  }
0xba: {  	s0 =	sor.u32 s3, s0;
	s1 =	sshll.u32 s1, $0x11  }
0xbb: {  	s0 =	sor.u32 s1, s0  }
0xbc: {  	s0 =	sadd.s32 $0x8F2B, s0  }
0xbd: {  	[sflag:s0] =	ssyncadd.remote.s32 $0x1  }
0xbe: {  	_ =	sfence.sel $0xFFFF  }
0xbf: {  	[dreg:$0x0] =	wrdreg $0xFFFFFFFF;
	(pc) =	sbr.abs _section_cstart, $3  }
0xc0: {  	[dreg:$0x1] =	wrdreg $0xFFFFFFFF  }
0xc1: {  	_ =	task.clear_ibuf [dreg:s7], $0x2FFFF;
	_ =	strace $0x9FFFFFFF  }
0xc2: {  	(tm) =	ssettm $0x7FFFFFFF  }
0xc3: {  	_ =	shalt  }
tec
execute0_lowered:
.L_overlay_start_1:
0x0: {  	(tag) =	ssettag $0x1  }
0x1: {  	s1 =	srdreg.scid;
	s9 =	rddreg [dreg:$0x0]  }
0x2: {  	s0 =	stileid.u32;
	s3 =	rddreg [dreg:$0x1]  }
0x3: {  	s2 =	simm.s32 $0x0;
	s7 =	simm.s32 $0x80;
	s6 =	sand.u32 $0x1, s1  }
0x4: {  	s5 =	sshll.u32 s0, $0x5;
	s1 =	rddreg [dreg:$0x2];
	s4 =	sshll.u32 s6, $0x9  }
0x5: {  	s8 =	simm.s32 $0x1;
	[smem:$0x7FF] =	sst s2;
	s10 =	sor.u32 s5, s4  }
0x6: {  	_ =	strace $0x80000050;
	s11 =	ssub.s32 $0x2, s6;
	s4 =	sshrl.u32 s10, $0x3  }
0x7: {  	s6 =	simm.s32 $0x20;
	s4 =	sadd.s32 s3, s4;
	s3 =	simm.s32 $0x2  }
0x8: {  	[tilespmem:s2], [sflag:$0x2] =	stream.linear.gather [hbm4b:s4+s2], $0x20, $0x38;
	[tilespmem:$0x1080] =	vst v63  }
0x9: {  	s5 =	sadd.s32 $0x4200, s9;
	s12 =	sshrl.u32 s11, $0x1;
	_ =	swait.ge [sflag:s3], $0x20  }
0xa: {  	s10 =	sshll.u32 s10, $0x4;
	s31 =	ssub.s32 s11, s12;
	[sflag:s3] =	ssyncset.done $0x0  }
0xb: {  	s9 =	sadd.s32 s10, s9;
	s10 =	smax.u32 s31, $0x1;
	[sflag:s3] =	ssyncadd.s32 $0xFFFFFFE0  }
0xc: {  	[tilespmem:s7], [sflag:$0x1] =	stream.indirect.gather [hbm4b:s5+s6], $0x80, s2, s6, $0xb8;
	[tilespmem:$0x1080] =	vst v63  }
0xd: {  	p0 =	sne.s32 s10, $0x1;
	_ =	swait.ge [sflag:s8], $0x1000  }
.Ltmp0:
0xe: {  	[sflag:s8] =	ssyncset.done $0x0;
	(pc) =	sbr.rel @!p0 .LBB2_2-.Ltmp0, $4  }
0xf: {  	s9 =	sadd.s32 $0x2C200, s9;
	[sflag:s8] =	ssyncadd.s32 $0xFFFFF000  }
0x10: {  	[hbm4b:s9+s2] =	stream.linear.scatter [tilespmem:s7], [sflag:$0x2], $0x1000, $0x38;
	[tilespmem:$0x1080] =	vst v63  }
0x11: {  	_ =	swait.ge [sflag:s3], $0x1000  }
0x12: {  	s10 =	sadd.s32 $0xFFFFFFFF, s10;
	[sflag:s3] =	ssyncset.done $0x0  }
.LBB2_1:
0x13: {  	p0 =	sne.s32 s10, $0x1;
	s10 =	sadd.s32 $0xFFFFFFFF, s10;
	[sflag:s3] =	ssyncadd.s32 $0xFFFFF000  }
0x14: {  	[tilespmem:s2], [sflag:$0x2] =	stream.linear.gather [hbm4b:s4+s2], $0x20, $0x38;
	[tilespmem:$0x1080] =	vst v63  }
0x15: {  	_ =	swait.ge [sflag:s3], $0x20  }
0x16: {  	[sflag:s3] =	ssyncset.done $0x0  }
0x17: {  	[sflag:s3] =	ssyncadd.s32 $0xFFFFFFE0  }
0x18: {  	[tilespmem:s7], [sflag:$0x1] =	stream.indirect.gather [hbm4b:s5+s6], $0x80, s2, s6, $0xb8;
	[tilespmem:$0x1080] =	vst v63  }
0x19: {  	_ =	swait.ge [sflag:s8], $0x1000  }
.Ltmp1:
0x1a: {  	[sflag:s8] =	ssyncset.done $0x0;
	(pc) =	sbr.rel @p0 .LBB2_1-.Ltmp1, $4  }
0x1b: {  	[sflag:s8] =	ssyncadd.s32 $0xFFFFF000  }
0x1c: {  	[hbm4b:s9+s2] =	stream.linear.scatter [tilespmem:s7], [sflag:$0x2], $0x1000, $0x38;
	[tilespmem:$0x1080] =	vst v63  }
0x1d: {  	_ =	swait.ge [sflag:s3], $0x1000  }
0x1e: {  	[sflag:s3] =	ssyncset.done $0x0  }
.LBB2_2:
0x1f: {  	[sflag:s3] =	ssyncadd.s32 $0xFFFFF000  }
0x20: {  	_ =	sfence.sel $0x180000  }
0x21: {  	[bflag:$0x0] =	sbarrier.arrive $0xFFFF  }
0x22: {  	p0 =	sne.s32 s0, $0x0;
	_ =	strace $0x90000050  }
0x23: {  	s0 =	sadd.s32 @!p0 $0x100000, s1;
	[bflag:$0x2] =	sbarrier.arrive $0xFFFF  }
0x24: {  	[sflag:s0] =	ssyncadd.tile.s32 @!p0 $0x1;
	_ =	shalt  }
.Lfunc_end2:
_tile_overlayer_lowered:
.L_overlay_start_2:
0x25: {  	(tag) =	ssettag $0x2  }
0x26: {  	s0 =	rddreg [dreg:$0x0];
	s2 =	stileid.u32  }
0x27: {  	s1 =	rddreg [dreg:$0x1];
	p0 =	sne.s32 s2, $0x0  }
0x28: {  	s3 =	rddreg [dreg:$0x2];
	[bflag:$0x3] =	sbarrier.arrive $0xFFFF;
	s2 =	simm.s32 @!p0 $0x1C02  }
0x29: {  	[timem:s3], [sflag:s2] =	dma.local @!p0 [hbm:s0], s1  }
0x2a: {  	s0 =	simm.s32 @!p0 $0x2  }
0x2b: {  	_ =	swait.ge @!p0 [sflag:s0], s1  }
0x2c: {  	s1 =	ssub.s32 @!p0 $0x0, s1;
	[sflag:s0] =	ssyncset.done @!p0 $0x0  }
0x2d: {  	[sflag:s0] =	ssyncadd.s32 @!p0 s1  }
0x2e: {  	[bflag:$0x3] =	sbarrier.arrive $0xFFFF  }
0x2f: {  	_ =	shalt  }

</sc_bundles>
